<compile_context>
chip_gen: v7x
topology: tpu7x:2x2x1
jax: 0.10.2.dev20260603
libtpu: 0.0.44.dev20260713+nightly
codegen_flags: <defaults>
</compile_context>

<pallas_src>
import functools

import jax
import jax.numpy as jnp
from jax import lax
from jax.experimental import pallas as pl
from jax.experimental.pallas import tpu as pltpu
from jax.experimental.pallas import tpu_sc as plsc

NEG = -3.0e38
NC, NS, LANES = 2, 16, 16
NW = NC * NS


def _proj_t_body(w_ref, x_ref, out_ref):
    out_ref[...] = lax.dot_general(
        w_ref[...], x_ref[...], (((0,), (1,)), ((), ())),
        preferred_element_type=jnp.float32)


def _proj_t(w, x, block):
    r, k = x.shape
    f = w.shape[1]
    grid = r // block
    return pl.pallas_call(
        _proj_t_body,
        grid=(grid,),
        in_specs=[
            pl.BlockSpec((k, f), lambda i: (0, 0)),
            pl.BlockSpec((block, k), lambda i: (i, 0)),
        ],
        out_specs=pl.BlockSpec((f, block), lambda i: (0, i)),
        out_shape=jax.ShapeDtypeStruct((f, r), jnp.float32),
    )(w, x)


def _make_sc_edge_kernel(n, e, k_chunk):
    nch = e // k_chunk
    assert e % k_chunk == 0 and nch % 2 == 0 and k_chunk % LANES == 0
    steps = k_chunk // LANES
    mesh = plsc.VectorSubcoreMesh(core_axis_name="c", subcore_axis_name="s",
                                  num_cores=NC, num_subcores=NS)

    @functools.partial(
        pl.kernel,
        out_type=jax.ShapeDtypeStruct((NW * n,), jnp.float32),
        mesh=mesh,
        compiler_params=pltpu.CompilerParams(needs_layout_passes=False),
        scratch_types=[
            pltpu.VMEM((n,), jnp.float32),
            pltpu.VMEM((n,), jnp.float32),
            pltpu.VMEM((k_chunk,), jnp.int32),
            pltpu.VMEM((k_chunk,), jnp.int32),
            pltpu.VMEM((k_chunk,), jnp.int32),
            pltpu.VMEM((k_chunk,), jnp.int32),
            pltpu.VMEM((k_chunk,), jnp.float32),
            pltpu.VMEM((k_chunk,), jnp.float32),
            pltpu.SemaphoreType.DMA,
            pltpu.SemaphoreType.DMA,
            pltpu.SemaphoreType.DMA,
            pltpu.SemaphoreType.DMA,
            pltpu.SemaphoreType.DMA,
            pltpu.SemaphoreType.DMA,
        ],
    )
    def sc_kernel(p1t, src, tgt, ea2t, out,
                  p1_v, acc_v, sb0, sb1, tb0, tb1, eb0, eb1,
                  ss0, ss1, ts0, ts1, es0, es1):
        wid = lax.axis_index("s") * NC + lax.axis_index("c")
        src_bufs, tgt_bufs, ea_bufs = (sb0, sb1), (tb0, tb1), (eb0, eb1)
        src_sems, tgt_sems, ea_sems = (ss0, ss1), (ts0, ts1), (es0, es1)

        pltpu.sync_copy(p1t.at[pl.ds(pl.multiple_of(wid * n, 8), n)], p1_v)

        def init_body(i, c):
            acc_v[pl.ds(pl.multiple_of(i * LANES, LANES), LANES)] = jnp.full(
                (LANES,), NEG, jnp.float32)
            return c
        lax.fori_loop(0, n // LANES, init_body, 0)

        def chunk_copies(c, bi):
            off = pl.multiple_of(c * k_chunk, 8)
            return (
                pltpu.make_async_copy(
                    src.at[pl.ds(off, k_chunk)], src_bufs[bi], src_sems[bi]),
                pltpu.make_async_copy(
                    tgt.at[pl.ds(off, k_chunk)], tgt_bufs[bi], tgt_sems[bi]),
                pltpu.make_async_copy(
                    ea2t.at[pl.ds(pl.multiple_of(wid * e + off, 8), k_chunk)],
                    ea_bufs[bi], ea_sems[bi]),
            )

        def start_chunk(c, bi):
            for cp in chunk_copies(c, bi):
                cp.start()

        def wait_chunk(c, bi):
            for cp in chunk_copies(c, bi):
                cp.wait()

        iota = lax.iota(jnp.int32, LANES)
        idx_next = jnp.minimum(iota + 1, LANES - 1)
        last_lane = iota == LANES - 1
        shift_idx = []
        for d in (1, 2, 4, 8):
            shift_idx.append((jnp.maximum(iota - d, 0), iota >= d))

        def make_step(sb, tb, eb):
            def step(i, c):
                base = pl.multiple_of(i * LANES, LANES)
                s_idx = sb[pl.ds(base, LANES)]
                t_idx = tb[pl.ds(base, LANES)]
                ea = eb[pl.ds(base, LANES)]
                val = plsc.load_gather(p1_v, [s_idx]) + ea
                _, last_m = plsc.scan_count(t_idx)
                old = plsc.load_gather(acc_v, [t_idx])
                plsc.store_scatter(acc_v, [t_idx], jnp.maximum(old, val),
                                   mask=last_m)

                @pl.when(jnp.logical_not(jnp.all(last_m)))
                def _slow():
                    ks, vs = plsc.sort_key_val(t_idx, val)
                    for idxd, valid in shift_idx:
                        ksh = ks.at[idxd].get(mode="promise_in_bounds")
                        vsh = vs.at[idxd].get(mode="promise_in_bounds")
                        ok = (ksh == ks) & valid
                        vs = jnp.maximum(vs, jnp.where(ok, vsh, NEG))
                    knx = ks.at[idx_next].get(mode="promise_in_bounds")
                    is_last = (knx != ks) | last_lane
                    old2 = plsc.load_gather(acc_v, [ks])
                    plsc.store_scatter(acc_v, [ks], jnp.maximum(old2, vs),
                                       mask=is_last)
                return c
            return step

        start_chunk(0, 0)

        def outer(c2, carry):
            c0 = c2 * 2
            for b in (0, 1):
                c = c0 + b
                wait_chunk(c, b)

                @pl.when(c + 1 < nch)
                def _():
                    start_chunk(c + 1, 1 - b)

                lax.fori_loop(0, steps,
                              make_step(src_bufs[b], tgt_bufs[b], ea_bufs[b]),
                              carry)
            return carry
        lax.fori_loop(0, nch // 2, outer, 0)

        pltpu.sync_copy(acc_v, out.at[pl.ds(pl.multiple_of(wid * n, 8), n)])

    return sc_kernel


def _post_body(nodes_ref, smx_ref, g_ref, w3_ref, w4_ref, bm_ref,
               wn_ref, wa_ref, wg_ref, bu_ref, we_ref, be_ref, out_ref):
    g = g_ref[...]
    gm = lax.dot_general(w4_ref[...], g, (((0,), (1,)), ((), ())),
                         preferred_element_type=jnp.float32) + bm_ref[...]
    p3t = lax.dot_general(w3_ref[...], nodes_ref[...], (((0,), (1,)), ((), ())),
                          preferred_element_type=jnp.float32)
    aggr_t = jnp.maximum(smx_ref[...] + p3t + gm, 0.0)
    gu = lax.dot_general(g, wg_ref[...], (((1,), (0,)), ((), ())),
                         preferred_element_type=jnp.float32) + bu_ref[...]
    upd = lax.dot_general(nodes_ref[...], wn_ref[...], (((1,), (0,)), ((), ())),
                          preferred_element_type=jnp.float32)
    upd += lax.dot_general(aggr_t, wa_ref[...], (((0,), (0,)), ((), ())),
                           preferred_element_type=jnp.float32)
    upd = jnp.maximum(upd + gu, 0.0)
    out = lax.dot_general(upd, we_ref[...], (((1,), (0,)), ((), ())),
                          preferred_element_type=jnp.float32)
    out_ref[...] = jnp.maximum(out + be_ref[...], 0.0)


def _post(nodes, smx_t, g, w3, w4, bm_col, wn, wa, wg, bu, we, be, block):
    n, df = nodes.shape
    dm = w3.shape[1]
    du = wn.shape[1]
    dout = we.shape[1]
    dg = g.shape[1]
    grid = n // block
    full = lambda *shape: pl.BlockSpec(shape, lambda i: tuple(0 for _ in shape))
    return pl.pallas_call(
        _post_body,
        grid=(grid,),
        in_specs=[
            pl.BlockSpec((block, df), lambda i: (i, 0)),
            pl.BlockSpec((dm, block), lambda i: (0, i)),
            full(1, dg), full(df, dm), full(dg, dm), full(dm, 1),
            full(df, du), full(dm, du), full(dg, du), full(du,),
            full(du, dout), full(dout,),
        ],
        out_specs=pl.BlockSpec((block, dout), lambda i: (i, 0)),
        out_shape=jax.ShapeDtypeStruct((n, dout), jnp.float32),
    )(nodes, smx_t, g, w3, w4, bm_col, wn, wa, wg, bu, we, be)


def kernel(nodes, edge_indices, edge_attr, global_attr, num_nodes, num_edges,
           batch_indices, W_msg, b_msg, W_upd, b_upd, W_glob, b_glob,
           W_emb, b_emb):
    n, df = nodes.shape
    e, de = edge_attr.shape
    dm = W_msg.shape[1]
    src = edge_indices[0, :, 0].astype(jnp.int32)
    tgt = edge_indices[0, :, 1].astype(jnp.int32)

    w1 = W_msg[:df]
    w2 = W_msg[df:df + de]
    w3 = W_msg[df + de:df + de + df]
    w4 = W_msg[df + de + df:]

    p1t = _proj_t(w1, nodes, block=n)
    ea2t = _proj_t(w2, edge_attr, block=16000)

    sc = _make_sc_edge_kernel(n, e, k_chunk=8000)
    smx_t = sc(p1t.reshape(-1), src, tgt, ea2t.reshape(-1)).reshape(dm, n)

    wn = W_upd[:df]
    wa = W_upd[df:df + dm]
    wg = W_upd[df + dm:]
    bm_col = b_msg.reshape(dm, 1)
    return _post(nodes, smx_t, global_attr, w3, w4, bm_col,
                 wn, wa, wg, b_upd, W_emb, b_emb, block=n)

# --- scband reference (transcript-rebuilt; emitter-appended) ---
"""Pipeline reference for scband-mmpn-57647051047686 (READ-ONLY COPY).

The authoritative reference and input builder live on the scoring server;
editing this copy changes nothing except your own understanding.
"""

import jax, jax.numpy as jnp
import numpy as np

N = 10000
E = 320000
DF = 128   # n_features_nodes
DE = 16    # n_features_edges
DG = 16    # n_features_global
DM = 32    # message_arch '32'
DU = 64    # node_arch '64'
DGRP = 32  # n_embedding_group
DOUT = 64  # n_output_dim_node


def setup_inputs(seed: int = 0):
    key = jax.random.key(seed)
    ks = jax.random.split(key, 16)
    nodes = jax.random.normal(ks[0], (N, DF), dtype=jnp.float32)
    edge_indices = jax.random.randint(ks[1], (1, E, 2), 0, N)
    edge_attr = jax.random.normal(ks[2], (E, DE), dtype=jnp.float32)
    global_attr = jax.random.normal(ks[3], (1, DG), dtype=jnp.float32)
    batch_indices = jnp.zeros((N,), dtype=jnp.int32)
    # parameters
    W_msg = jax.random.normal(ks[4], (DE + DF + DF + DG, DM), dtype=jnp.float32) * 0.05
    b_msg = jnp.zeros((DM,), dtype=jnp.float32)
    W_upd = jax.random.normal(ks[5], (DM + DF + DG, DU), dtype=jnp.float32) * 0.05
    b_upd = jnp.zeros((DU,), dtype=jnp.float32)
    W_glob = jax.random.normal(ks[6], (DU + DG, DGRP), dtype=jnp.float32) * 0.05
    b_glob = jnp.zeros((DGRP,), dtype=jnp.float32)
    W_emb = jax.random.normal(ks[7], (DU, DOUT), dtype=jnp.float32) * 0.05
    b_emb = jnp.zeros((DOUT,), dtype=jnp.float32)
    return {
        'nodes': nodes, 'edge_indices': edge_indices, 'edge_attr': edge_attr,
        'global_attr': global_attr, 'num_nodes': N, 'num_edges': E,
        'batch_indices': batch_indices,
        'W_msg': W_msg, 'b_msg': b_msg, 'W_upd': W_upd, 'b_upd': b_upd,
        'W_glob': W_glob, 'b_glob': b_glob, 'W_emb': W_emb, 'b_emb': b_emb,
    }


def _seg_max_zero(x, ids, num_segments):
    # torch_scatter.scatter_max leaves empty slots at 0; segment_max fills -inf
    out = jax.ops.segment_max(x, ids, num_segments=num_segments)
    return jnp.where(jnp.isfinite(out), out, 0.0)


def reference(nodes, edge_indices, edge_attr, global_attr, num_nodes, num_edges,
              batch_indices, W_msg, b_msg, W_upd, b_upd, W_glob, b_glob, W_emb, b_emb):
    # single graph in batch: offset loop in the torch code is a no-op
    n_nodes_static = nodes.shape[0]
    n_edges_static = edge_attr.shape[0]
    zero_edges = (jnp.asarray(num_edges) - n_edges_static).astype(jnp.float32)
    zero_nodes = (jnp.asarray(num_nodes) - n_nodes_static).astype(jnp.float32)
    src = edge_indices[0, :, 0]
    tgt = edge_indices[0, :, 1]
    tmp_src = jnp.take(nodes, src, axis=0)
    tmp_tgt = jnp.take(nodes, tgt, axis=0)
    tmp_glob = jnp.repeat(global_attr, n_edges_static, axis=0) + zero_edges
    tmp_concat = jnp.concatenate([tmp_src, edge_attr, tmp_tgt, tmp_glob], axis=1)
    # message_nn = Linear + ReLU, then extra F.relu in forward
    message = jax.nn.relu(jax.nn.relu(tmp_concat @ W_msg + b_msg))
    aggr = _seg_max_zero(message, tgt, n_nodes_static)
    glob_nodes = jnp.repeat(global_attr, n_nodes_static, axis=0) + zero_nodes
    node_in = jnp.concatenate([nodes, aggr, glob_nodes], axis=1)
    upd = jax.nn.relu(node_in @ W_upd + b_upd)
    agg_nodes = _seg_max_zero(upd, batch_indices, 1)
    group = jax.nn.relu(jnp.concatenate([agg_nodes, global_attr], axis=1) @ W_glob + b_glob)
    out = jax.nn.relu(upd @ W_emb + b_emb)
    return out

if __name__ == "__main__":
    import jax
    _d = setup_inputs()
    print(jax.jit(kernel)(*tuple(_d.values())))

</pallas_src>

<mosaic_0001>
#map = affine_map<(d0, d1) -> (0)>
module attributes {stable_mosaic.version = 14 : i64} {
  func.func @sc_kernel(%arg0: i32, %arg1: i32, %arg2: memref<320000xf32, #tpu.memory_space<hbm>>, %arg3: memref<320000xi32, #tpu.memory_space<hbm>>, %arg4: memref<320000xi32, #tpu.memory_space<hbm>>, %arg5: memref<10240000xf32, #tpu.memory_space<hbm>>, %arg6: memref<320000xf32, #tpu.memory_space<hbm>>, %arg7: memref<10000xf32, #tpu.memory_space<vmem>>, %arg8: memref<10000xf32, #tpu.memory_space<vmem>>, %arg9: memref<8000xi32, #tpu.memory_space<vmem>>, %arg10: memref<8000xi32, #tpu.memory_space<vmem>>, %arg11: memref<8000xi32, #tpu.memory_space<vmem>>, %arg12: memref<8000xi32, #tpu.memory_space<vmem>>, %arg13: memref<8000xf32, #tpu.memory_space<vmem>>, %arg14: memref<8000xf32, #tpu.memory_space<vmem>>, %arg15: memref<!tpu.dma_semaphore, #tpu.memory_space<semaphore_mem>>, %arg16: memref<!tpu.dma_semaphore, #tpu.memory_space<semaphore_mem>>, %arg17: memref<!tpu.dma_semaphore, #tpu.memory_space<semaphore_mem>>, %arg18: memref<!tpu.dma_semaphore, #tpu.memory_space<semaphore_mem>>, %arg19: memref<!tpu.dma_semaphore, #tpu.memory_space<semaphore_mem>>, %arg20: memref<!tpu.dma_semaphore, #tpu.memory_space<semaphore_mem>>) attributes {dimension_semantics = [#tpu.dimension_semantics<core_parallel>, #tpu.dimension_semantics<subcore_parallel>], iteration_bounds = array<i64: 2, 16>, scalar_prefetch = 0 : i64, scratch_operands = 14 : i64, tpu.core_type = #tpu.core_type<sc_vector_subcore>, window_params = [{transform_indices = #map}, {transform_indices = #map}, {transform_indices = #map}, {transform_indices = #map}, {transform_indices = #map}]} {
    %mul3A = arith.constant 2 : i32
    %mul3A_0 = arith.muli %arg1, %mul3A : i32
    %add3A = arith.addi %mul3A_0, %arg0 : i32
    %mul3A_1 = arith.constant 10000 : i32
    %mul3A_2 = arith.muli %add3A, %mul3A_1 : i32
    %multiple_of3A = tpu.assume_multiple %mul3A_2, 8 : i32
    "tpu.region"() ({
      %run_scoped3A = tpu.sem_alloc : memref<!tpu.dma_semaphore, #tpu.memory_space<semaphore_mem>>
      %dma_start3A_68 = tpu.memref_slice %arg2[%multiple_of3A] : memref<320000xf32, #tpu.memory_space<hbm>> -> memref<10000xf32, #tpu.memory_space<hbm>>
      %dma_start3A_69 = tpu.memref_slice %arg2[%multiple_of3A] : memref<320000xf32, #tpu.memory_space<hbm>> -> memref<10000xf32, #tpu.memory_space<hbm>>
      tpu.enqueue_dma source(%dma_start3A_69 : memref<10000xf32, #tpu.memory_space<hbm>>) target(%arg7 : memref<10000xf32, #tpu.memory_space<vmem>>) target_semaphore(%run_scoped3A : memref<!tpu.dma_semaphore, #tpu.memory_space<semaphore_mem>>)
      %dma_wait3A = tpu.memref_slice %arg2[%multiple_of3A] : memref<320000xf32, #tpu.memory_space<hbm>> -> memref<10000xf32, #tpu.memory_space<hbm>>
      %dma_wait3A_70 = tpu.memref_slice %arg2[%multiple_of3A] : memref<320000xf32, #tpu.memory_space<hbm>> -> memref<10000xf32, #tpu.memory_space<hbm>>
      tpu.wait_dma2 semaphore(%run_scoped3A : memref<!tpu.dma_semaphore, #tpu.memory_space<semaphore_mem>>) src(%dma_wait3A_70 : memref<10000xf32, #tpu.memory_space<hbm>>) dst(%arg7 : memref<10000xf32, #tpu.memory_space<vmem>>)
      tpu.yield
    }) : () -> ()
    %scan3A = arith.constant 0 : i32
    %scan3A_3 = arith.constant 0 : i32
    %scan3A_4 = arith.constant 625 : i32
    %scan3A_5 = arith.addi %scan3A_3, %scan3A_4 : i32
    %scan3A_6 = arith.constant 1 : i32
    scf.for %scan3A_68 = %scan3A_3 to %scan3A_5 step %scan3A_6  : i32 {
      %broadcast_in_dim3A = arith.constant -3.000000e+38 : f32
      %broadcast_in_dim3A_69 = vector.broadcast %broadcast_in_dim3A : f32 to vector<16xf32>
      %mul3A_70 = arith.constant 16 : i32
      %mul3A_71 = arith.muli %scan3A_68, %mul3A_70 : i32
      %multiple_of3A_72 = tpu.assume_multiple %mul3A_71, 16 : i32
      %swap3A = arith.index_cast %multiple_of3A_72 : i32 to index
      %swap3A_73 = tpu.vector_load %arg8[%swap3A] {strides = array<i32>} : memref<10000xf32, #tpu.memory_space<vmem>>, vector<16xf32>,
      tpu.vector_store %arg8[%swap3A], %broadcast_in_dim3A_69 {strides = array<i32>} : memref<10000xf32, #tpu.memory_space<vmem>>, vector<16xf32>,
    }
    %scan3A_7 = arith.constant 625 : i32
    %iota3A = tpu.iota {dimensions = array<i32: 0>} : vector<16xi32>
    %add3A_8 = arith.constant 1 : i32
    %add3A_9 = vector.broadcast %add3A_8 : i32 to vector<16xi32>
    %add3A_10 = arith.addi %iota3A, %add3A_9 : vector<16xi32>
    %min3A = arith.constant 15 : i32
    %min3A_11 = vector.broadcast %min3A : i32 to vector<16xi32>
    %min3A_12 = arith.minsi %add3A_10, %min3A_11 : vector<16xi32>
    %eq3A = arith.constant 15 : i32
    %eq3A_13 = vector.broadcast %eq3A : i32 to vector<16xi32>
    %eq3A_14 = arith.cmpi eq, %iota3A, %eq3A_13 : vector<16xi32>
    %sub3A = arith.constant 1 : i32
    %sub3A_15 = vector.broadcast %sub3A : i32 to vector<16xi32>
    %sub3A_16 = arith.subi %iota3A, %sub3A_15 : vector<16xi32>
    %max3A = arith.constant 0 : i32
    %max3A_17 = vector.broadcast %max3A : i32 to vector<16xi32>
    %max3A_18 = arith.maxsi %sub3A_16, %max3A_17 : vector<16xi32>
    %ge3A = arith.constant 1 : i32
    %ge3A_19 = vector.broadcast %ge3A : i32 to vector<16xi32>
    %ge3A_20 = arith.cmpi sge, %iota3A, %ge3A_19 : vector<16xi32>
    %sub3A_21 = arith.constant 2 : i32
    %sub3A_22 = vector.broadcast %sub3A_21 : i32 to vector<16xi32>
    %sub3A_23 = arith.subi %iota3A, %sub3A_22 : vector<16xi32>
    %max3A_24 = arith.constant 0 : i32
    %max3A_25 = vector.broadcast %max3A_24 : i32 to vector<16xi32>
    %max3A_26 = arith.maxsi %sub3A_23, %max3A_25 : vector<16xi32>
    %ge3A_27 = arith.constant 2 : i32
    %ge3A_28 = vector.broadcast %ge3A_27 : i32 to vector<16xi32>
    %ge3A_29 = arith.cmpi sge, %iota3A, %ge3A_28 : vector<16xi32>
    %sub3A_30 = arith.constant 4 : i32
    %sub3A_31 = vector.broadcast %sub3A_30 : i32 to vector<16xi32>
    %sub3A_32 = arith.subi %iota3A, %sub3A_31 : vector<16xi32>
    %max3A_33 = arith.constant 0 : i32
    %max3A_34 = vector.broadcast %max3A_33 : i32 to vector<16xi32>
    %max3A_35 = arith.maxsi %sub3A_32, %max3A_34 : vector<16xi32>
    %ge3A_36 = arith.constant 4 : i32
    %ge3A_37 = vector.broadcast %ge3A_36 : i32 to vector<16xi32>
    %ge3A_38 = arith.cmpi sge, %iota3A, %ge3A_37 : vector<16xi32>
    %sub3A_39 = arith.constant 8 : i32
    %sub3A_40 = vector.broadcast %sub3A_39 : i32 to vector<16xi32>
    %sub3A_41 = arith.subi %iota3A, %sub3A_40 : vector<16xi32>
    %max3A_42 = arith.constant 0 : i32
    %max3A_43 = vector.broadcast %max3A_42 : i32 to vector<16xi32>
    %max3A_44 = arith.maxsi %sub3A_41, %max3A_43 : vector<16xi32>
    %ge3A_45 = arith.constant 8 : i32
    %ge3A_46 = vector.broadcast %ge3A_45 : i32 to vector<16xi32>
    %ge3A_47 = arith.cmpi sge, %iota3A, %ge3A_46 : vector<16xi32>
    %multiple_of3A_48 = arith.constant 0 : i32
    %multiple_of3A_49 = tpu.assume_multiple %multiple_of3A_48, 8 : i32
    %mul3A_50 = arith.constant 320000 : i32
    %mul3A_51 = arith.muli %add3A, %mul3A_50 : i32
    %add3A_52 = arith.addi %mul3A_51, %multiple_of3A_49 : i32
    %multiple_of3A_53 = tpu.assume_multiple %add3A_52, 8 : i32
    %dma_start3A = tpu.memref_slice %arg3[%multiple_of3A_49] : memref<320000xi32, #tpu.memory_space<hbm>> -> memref<8000xi32, #tpu.memory_space<hbm>>
    %dma_start3A_54 = tpu.memref_slice %arg3[%multiple_of3A_49] : memref<320000xi32, #tpu.memory_space<hbm>> -> memref<8000xi32, #tpu.memory_space<hbm>>
    tpu.enqueue_dma source(%dma_start3A_54 : memref<8000xi32, #tpu.memory_space<hbm>>) target(%arg9 : memref<8000xi32, #tpu.memory_space<vmem>>) target_semaphore(%arg15 : memref<!tpu.dma_semaphore, #tpu.memory_space<semaphore_mem>>)
    %dma_start3A_55 = tpu.memref_slice %arg4[%multiple_of3A_49] : memref<320000xi32, #tpu.memory_space<hbm>> -> memref<8000xi32, #tpu.memory_space<hbm>>
    %dma_start3A_56 = tpu.memref_slice %arg4[%multiple_of3A_49] : memref<320000xi32, #tpu.memory_space<hbm>> -> memref<8000xi32, #tpu.memory_space<hbm>>
    tpu.enqueue_dma source(%dma_start3A_56 : memref<8000xi32, #tpu.memory_space<hbm>>) target(%arg11 : memref<8000xi32, #tpu.memory_space<vmem>>) target_semaphore(%arg17 : memref<!tpu.dma_semaphore, #tpu.memory_space<semaphore_mem>>)
    %dma_start3A_57 = tpu.memref_slice %arg5[%multiple_of3A_53] : memref<10240000xf32, #tpu.memory_space<hbm>> -> memref<8000xf32, #tpu.memory_space<hbm>>
    %dma_start3A_58 = tpu.memref_slice %arg5[%multiple_of3A_53] : memref<10240000xf32, #tpu.memory_space<hbm>> -> memref<8000xf32, #tpu.memory_space<hbm>>
    tpu.enqueue_dma source(%dma_start3A_58 : memref<8000xf32, #tpu.memory_space<hbm>>) target(%arg13 : memref<8000xf32, #tpu.memory_space<vmem>>) target_semaphore(%arg19 : memref<!tpu.dma_semaphore, #tpu.memory_space<semaphore_mem>>)
    %scan3A_59 = arith.constant 0 : i32
    %scan3A_60 = arith.constant 0 : i32
    %scan3A_61 = arith.constant 20 : i32
    %scan3A_62 = arith.addi %scan3A_60, %scan3A_61 : i32
    %scan3A_63 = arith.constant 1 : i32
    scf.for %scan3A_68 = %scan3A_60 to %scan3A_62 step %scan3A_63  : i32 {
      %mul3A_69 = arith.constant 2 : i32
      %mul3A_70 = arith.muli %scan3A_68, %mul3A_69 : i32
      %add3A_71 = arith.constant 0 : i32
      %add3A_72 = arith.addi %mul3A_70, %add3A_71 : i32
      %mul3A_73 = arith.constant 8000 : i32
      %mul3A_74 = arith.muli %add3A_72, %mul3A_73 : i32
      %multiple_of3A_75 = tpu.assume_multiple %mul3A_74, 8 : i32
      %mul3A_76 = arith.constant 320000 : i32
      %mul3A_77 = arith.muli %add3A, %mul3A_76 : i32
      %add3A_78 = arith.addi %mul3A_77, %multiple_of3A_75 : i32
      %multiple_of3A_79 = tpu.assume_multiple %add3A_78, 8 : i32
      %dma_wait3A = tpu.memref_slice %arg3[%multiple_of3A_75] : memref<320000xi32, #tpu.memory_space<hbm>> -> memref<8000xi32, #tpu.memory_space<hbm>>
      %dma_wait3A_80 = tpu.memref_slice %arg3[%multiple_of3A_75] : memref<320000xi32, #tpu.memory_space<hbm>> -> memref<8000xi32, #tpu.memory_space<hbm>>
      tpu.wait_dma2 semaphore(%arg15 : memref<!tpu.dma_semaphore, #tpu.memory_space<semaphore_mem>>) src(%dma_wait3A_80 : memref<8000xi32, #tpu.memory_space<hbm>>) dst(%arg9 : memref<8000xi32, #tpu.memory_space<vmem>>)
      %dma_wait3A_81 = tpu.memref_slice %arg4[%multiple_of3A_75] : memref<320000xi32, #tpu.memory_space<hbm>> -> memref<8000xi32, #tpu.memory_space<hbm>>
      %dma_wait3A_82 = tpu.memref_slice %arg4[%multiple_of3A_75] : memref<320000xi32, #tpu.memory_space<hbm>> -> memref<8000xi32, #tpu.memory_space<hbm>>
      tpu.wait_dma2 semaphore(%arg17 : memref<!tpu.dma_semaphore, #tpu.memory_space<semaphore_mem>>) src(%dma_wait3A_82 : memref<8000xi32, #tpu.memory_space<hbm>>) dst(%arg11 : memref<8000xi32, #tpu.memory_space<vmem>>)
      %dma_wait3A_83 = tpu.memref_slice %arg5[%multiple_of3A_79] : memref<10240000xf32, #tpu.memory_space<hbm>> -> memref<8000xf32, #tpu.memory_space<hbm>>
      %dma_wait3A_84 = tpu.memref_slice %arg5[%multiple_of3A_79] : memref<10240000xf32, #tpu.memory_space<hbm>> -> memref<8000xf32, #tpu.memory_space<hbm>>
      tpu.wait_dma2 semaphore(%arg19 : memref<!tpu.dma_semaphore, #tpu.memory_space<semaphore_mem>>) src(%dma_wait3A_84 : memref<8000xf32, #tpu.memory_space<hbm>>) dst(%arg13 : memref<8000xf32, #tpu.memory_space<vmem>>)
      %add3A_85 = arith.constant 1 : i32
      %add3A_86 = arith.addi %add3A_72, %add3A_85 : i32
      %lt3A = arith.constant 40 : i32
      %lt3A_87 = arith.cmpi slt, %add3A_86, %lt3A : i32
      %convert_element_type3A = arith.extui %lt3A_87 : i1 to i32
      %cond3A = arith.constant 0 : i32
      %cond3A_88 = arith.cmpi ne, %convert_element_type3A, %cond3A : i32
      scf.if %cond3A_88 {
        %add3A_121 = arith.constant 1 : i32
        %add3A_122 = arith.addi %add3A_72, %add3A_121 : i32
        %mul3A_123 = arith.constant 8000 : i32
        %mul3A_124 = arith.muli %add3A_122, %mul3A_123 : i32
        %multiple_of3A_125 = tpu.assume_multiple %mul3A_124, 8 : i32
        %mul3A_126 = arith.constant 320000 : i32
        %mul3A_127 = arith.muli %add3A, %mul3A_126 : i32
        %add3A_128 = arith.addi %mul3A_127, %multiple_of3A_125 : i32
        %multiple_of3A_129 = tpu.assume_multiple %add3A_128, 8 : i32
        %dma_start3A_130 = tpu.memref_slice %arg3[%multiple_of3A_125] : memref<320000xi32, #tpu.memory_space<hbm>> -> memref<8000xi32, #tpu.memory_space<hbm>>
        %dma_start3A_131 = tpu.memref_slice %arg3[%multiple_of3A_125] : memref<320000xi32, #tpu.memory_space<hbm>> -> memref<8000xi32, #tpu.memory_space<hbm>>
        tpu.enqueue_dma source(%dma_start3A_131 : memref<8000xi32, #tpu.memory_space<hbm>>) target(%arg10 : memref<8000xi32, #tpu.memory_space<vmem>>) target_semaphore(%arg16 : memref<!tpu.dma_semaphore, #tpu.memory_space<semaphore_mem>>)
        %dma_start3A_132 = tpu.memref_slice %arg4[%multiple_of3A_125] : memref<320000xi32, #tpu.memory_space<hbm>> -> memref<8000xi32, #tpu.memory_space<hbm>>
        %dma_start3A_133 = tpu.memref_slice %arg4[%multiple_of3A_125] : memref<320000xi32, #tpu.memory_space<hbm>> -> memref<8000xi32, #tpu.memory_space<hbm>>
        tpu.enqueue_dma source(%dma_start3A_133 : memref<8000xi32, #tpu.memory_space<hbm>>) target(%arg12 : memref<8000xi32, #tpu.memory_space<vmem>>) target_semaphore(%arg18 : memref<!tpu.dma_semaphore, #tpu.memory_space<semaphore_mem>>)
        %dma_start3A_134 = tpu.memref_slice %arg5[%multiple_of3A_129] : memref<10240000xf32, #tpu.memory_space<hbm>> -> memref<8000xf32, #tpu.memory_space<hbm>>
        %dma_start3A_135 = tpu.memref_slice %arg5[%multiple_of3A_129] : memref<10240000xf32, #tpu.memory_space<hbm>> -> memref<8000xf32, #tpu.memory_space<hbm>>
        tpu.enqueue_dma source(%dma_start3A_135 : memref<8000xf32, #tpu.memory_space<hbm>>) target(%arg14 : memref<8000xf32, #tpu.memory_space<vmem>>) target_semaphore(%arg20 : memref<!tpu.dma_semaphore, #tpu.memory_space<semaphore_mem>>)
      } else {
      }
      %scan3A_89 = arith.constant 0 : i32
      %scan3A_90 = arith.constant 500 : i32
      %scan3A_91 = arith.addi %scan3A_89, %scan3A_90 : i32
      %scan3A_92 = arith.constant 1 : i32
      scf.for %scan3A_121 = %scan3A_89 to %scan3A_91 step %scan3A_92  : i32 {
        %mul3A_122 = arith.constant 16 : i32
        %mul3A_123 = arith.muli %scan3A_121, %mul3A_122 : i32
        %multiple_of3A_124 = tpu.assume_multiple %mul3A_123, 16 : i32
        %get3A = arith.index_cast %multiple_of3A_124 : i32 to index
        %get3A_125 = tpu.vector_load %arg9[%get3A] {strides = array<i32>} : memref<8000xi32, #tpu.memory_space<vmem>>, vector<16xi32>,
        %get3A_126 = arith.index_cast %multiple_of3A_124 : i32 to index
        %get3A_127 = tpu.vector_load %arg11[%get3A_126] {strides = array<i32>} : memref<8000xi32, #tpu.memory_space<vmem>>, vector<16xi32>,
        %get3A_128 = arith.index_cast %multiple_of3A_124 : i32 to index
        %get3A_129 = tpu.vector_load %arg13[%get3A_128] {strides = array<i32>} : memref<8000xf32, #tpu.memory_space<vmem>>, vector<16xf32>,
        %gather3A = tpu.vector_load_idx %arg7[%get3A_125] : memref<10000xf32, #tpu.memory_space<vmem>>[vector<16xi32>], vector<16xf32>,
        %add3A_130 = arith.addf %gather3A, %get3A_129 : vector<16xf32>
        %broadcast_in_dim3A = arith.constant true
        %broadcast_in_dim3A_131 = vector.broadcast %broadcast_in_dim3A : i1 to vector<16xi1>
        %unique3A, %unique3A_132 = tpu.scan_count mask(%broadcast_in_dim3A_131 : vector<16xi1>) value(%get3A_127 : vector<16xi32>) : vector<16xi1>, vector<16xi32>
        %gather3A_133 = tpu.vector_load_idx %arg8[%get3A_127] : memref<10000xf32, #tpu.memory_space<vmem>>[vector<16xi32>], vector<16xf32>,
        %max3A_134 = arith.maximumf %gather3A_133, %add3A_130 : vector<16xf32>
        tpu.vector_store_idx %arg8[%get3A_127], %max3A_134 masked %unique3A : memref<10000xf32, #tpu.memory_space<vmem>>[vector<16xi32>], vector<16xf32>, vector<16xi1>
        %reduce_and3A = arith.constant 1.000000e+00 : f32
        %reduce_and3A_135 = arith.constant 0.000000e+00 : f32
        %reduce_and3A_136 = vector.broadcast %reduce_and3A : f32 to vector<16xf32>
        %reduce_and3A_137 = vector.broadcast %reduce_and3A_135 : f32 to vector<16xf32>
        %reduce_and3A_138 = arith.select %unique3A, %reduce_and3A_136, %reduce_and3A_137 : vector<16xi1>, vector<16xf32>
        %reduce_and3A_139 = arith.constant true
        %reduce_and3A_140 = vector.broadcast %reduce_and3A_139 : i1 to vector<16xi1>
        %reduce_and3A_141 = tpu.scan <min>, %reduce_and3A_138 masked %reduce_and3A_140 : vector<16xf32>, vector<16xi1> -> vector<16xf32>
        %reduce_and3A_142 = vector.extract %reduce_and3A_141[15] : f32 from vector<16xf32>
        %reduce_and3A_143 = arith.constant 0.000000e+00 : f32
        %reduce_and3A_144 = arith.cmpf ogt, %reduce_and3A_142, %reduce_and3A_143 : f32
        %not3A = arith.constant true
        %not3A_145 = arith.xori %reduce_and3A_144, %not3A : i1
        %convert_element_type3A_146 = arith.extui %not3A_145 : i1 to i32
        %cond3A_147 = arith.constant 0 : i32
        %cond3A_148 = arith.cmpi ne, %convert_element_type3A_146, %cond3A_147 : i32
        scf.if %cond3A_148 {
          %masked_sort3A = arith.constant dense<true> : vector<16xi1>
          %masked_sort3A_149 = arith.constant -2147483648 : i32
          %masked_sort3A_150 = vector.broadcast %masked_sort3A_149 : i32 to vector<16xi32>
          %masked_sort3A_151 = arith.xori %get3A_127, %masked_sort3A_150 : vector<16xi32>
          %masked_sort3A_152, %masked_sort3A_153, %masked_sort3A_154 = tpu.sort %masked_sort3A_151, %add3A_130 masked %masked_sort3A : (vector<16xi32>, vector<16xf32>, vector<16xi1>) -> (vector<16xi1>, vector<16xi32>, vector<16xf32>)
          %masked_sort3A_155 = arith.xori %masked_sort3A_153, %masked_sort3A_150 : vector<16xi32>
          %lt3A_156 = arith.constant 0 : i32
          %lt3A_157 = vector.broadcast %lt3A_156 : i32 to vector<16xi32>
          %lt3A_158 = arith.cmpi slt, %max3A_18, %lt3A_157 : vector<16xi32>
          %add3A_159 = arith.constant 16 : i32
          %add3A_160 = vector.broadcast %add3A_159 : i32 to vector<16xi32>
          %add3A_161 = arith.addi %max3A_18, %add3A_160 : vector<16xi32>
          %select_n3A = arith.select %lt3A_158, %add3A_161, %max3A_18 : vector<16xi1>, vector<16xi32>
          %broadcast_in_dim3A_162 = vector.shape_cast %select_n3A : vector<16xi32> to vector<16x1xi32>
          %gather3A_163 = vector.shape_cast %broadcast_in_dim3A_162 : vector<16x1xi32> to vector<16xi32>
          %gather3A_164 = tpu.dynamic_gather %masked_sort3A_155[%gather3A_163] in [0] : vector<16xi32>, vector<16xi32> -> vector<16xi32>
          %lt3A_165 = arith.constant 0 : i32
          %lt3A_166 = vector.broadcast %lt3A_165 : i32 to vector<16xi32>
          %lt3A_167 = arith.cmpi slt, %max3A_18, %lt3A_166 : vector<16xi32>
          %add3A_168 = arith.constant 16 : i32
          %add3A_169 = vector.broadcast %add3A_168 : i32 to vector<16xi32>
          %add3A_170 = arith.addi %max3A_18, %add3A_169 : vector<16xi32>
          %select_n3A_171 = arith.select %lt3A_167, %add3A_170, %max3A_18 : vector<16xi1>, vector<16xi32>
          %broadcast_in_dim3A_172 = vector.shape_cast %select_n3A_171 : vector<16xi32> to vector<16x1xi32>
          %gather3A_173 = vector.shape_cast %broadcast_in_dim3A_172 : vector<16x1xi32> to vector<16xi32>
          %gather3A_174 = tpu.dynamic_gather %masked_sort3A_154[%gather3A_173] in [0] : vector<16xf32>, vector<16xi32> -> vector<16xf32>
          %eq3A_175 = arith.cmpi eq, %gather3A_164, %masked_sort3A_155 : vector<16xi32>
          %and3A = arith.andi %eq3A_175, %ge3A_20 : vector<16xi1>
          %jit3A = arith.constant -3.000000e+38 : f32
          %broadcast_in_dim3A_176 = vector.broadcast %jit3A : f32 to vector<16xf32>
          %select_n3A_177 = arith.select %and3A, %gather3A_174, %broadcast_in_dim3A_176 : vector<16xi1>, vector<16xf32>
          %max3A_178 = arith.maximumf %masked_sort3A_154, %select_n3A_177 : vector<16xf32>
          %lt3A_179 = arith.constant 0 : i32
          %lt3A_180 = vector.broadcast %lt3A_179 : i32 to vector<16xi32>
          %lt3A_181 = arith.cmpi slt, %max3A_26, %lt3A_180 : vector<16xi32>
          %add3A_182 = arith.constant 16 : i32
          %add3A_183 = vector.broadcast %add3A_182 : i32 to vector<16xi32>
          %add3A_184 = arith.addi %max3A_26, %add3A_183 : vector<16xi32>
          %select_n3A_185 = arith.select %lt3A_181, %add3A_184, %max3A_26 : vector<16xi1>, vector<16xi32>
          %broadcast_in_dim3A_186 = vector.shape_cast %select_n3A_185 : vector<16xi32> to vector<16x1xi32>
          %gather3A_187 = vector.shape_cast %broadcast_in_dim3A_186 : vector<16x1xi32> to vector<16xi32>
          %gather3A_188 = tpu.dynamic_gather %masked_sort3A_155[%gather3A_187] in [0] : vector<16xi32>, vector<16xi32> -> vector<16xi32>
          %lt3A_189 = arith.constant 0 : i32
          %lt3A_190 = vector.broadcast %lt3A_189 : i32 to vector<16xi32>
          %lt3A_191 = arith.cmpi slt, %max3A_26, %lt3A_190 : vector<16xi32>
          %add3A_192 = arith.constant 16 : i32
          %add3A_193 = vector.broadcast %add3A_192 : i32 to vector<16xi32>
          %add3A_194 = arith.addi %max3A_26, %add3A_193 : vector<16xi32>
          %select_n3A_195 = arith.select %lt3A_191, %add3A_194, %max3A_26 : vector<16xi1>, vector<16xi32>
          %broadcast_in_dim3A_196 = vector.shape_cast %select_n3A_195 : vector<16xi32> to vector<16x1xi32>
          %gather3A_197 = vector.shape_cast %broadcast_in_dim3A_196 : vector<16x1xi32> to vector<16xi32>
          %gather3A_198 = tpu.dynamic_gather %max3A_178[%gather3A_197] in [0] : vector<16xf32>, vector<16xi32> -> vector<16xf32>
          %eq3A_199 = arith.cmpi eq, %gather3A_188, %masked_sort3A_155 : vector<16xi32>
          %and3A_200 = arith.andi %eq3A_199, %ge3A_29 : vector<16xi1>
          %jit3A_201 = arith.constant -3.000000e+38 : f32
          %broadcast_in_dim3A_202 = vector.broadcast %jit3A_201 : f32 to vector<16xf32>
          %select_n3A_203 = arith.select %and3A_200, %gather3A_198, %broadcast_in_dim3A_202 : vector<16xi1>, vector<16xf32>
          %max3A_204 = arith.maximumf %max3A_178, %select_n3A_203 : vector<16xf32>
          %lt3A_205 = arith.constant 0 : i32
          %lt3A_206 = vector.broadcast %lt3A_205 : i32 to vector<16xi32>
          %lt3A_207 = arith.cmpi slt, %max3A_35, %lt3A_206 : vector<16xi32>
          %add3A_208 = arith.constant 16 : i32
          %add3A_209 = vector.broadcast %add3A_208 : i32 to vector<16xi32>
          %add3A_210 = arith.addi %max3A_35, %add3A_209 : vector<16xi32>
          %select_n3A_211 = arith.select %lt3A_207, %add3A_210, %max3A_35 : vector<16xi1>, vector<16xi32>
          %broadcast_in_dim3A_212 = vector.shape_cast %select_n3A_211 : vector<16xi32> to vector<16x1xi32>
          %gather3A_213 = vector.shape_cast %broadcast_in_dim3A_212 : vector<16x1xi32> to vector<16xi32>
          %gather3A_214 = tpu.dynamic_gather %masked_sort3A_155[%gather3A_213] in [0] : vector<16xi32>, vector<16xi32> -> vector<16xi32>
          %lt3A_215 = arith.constant 0 : i32
          %lt3A_216 = vector.broadcast %lt3A_215 : i32 to vector<16xi32>
          %lt3A_217 = arith.cmpi slt, %max3A_35, %lt3A_216 : vector<16xi32>
          %add3A_218 = arith.constant 16 : i32
          %add3A_219 = vector.broadcast %add3A_218 : i32 to vector<16xi32>
          %add3A_220 = arith.addi %max3A_35, %add3A_219 : vector<16xi32>
          %select_n3A_221 = arith.select %lt3A_217, %add3A_220, %max3A_35 : vector<16xi1>, vector<16xi32>
          %broadcast_in_dim3A_222 = vector.shape_cast %select_n3A_221 : vector<16xi32> to vector<16x1xi32>
          %gather3A_223 = vector.shape_cast %broadcast_in_dim3A_222 : vector<16x1xi32> to vector<16xi32>
          %gather3A_224 = tpu.dynamic_gather %max3A_204[%gather3A_223] in [0] : vector<16xf32>, vector<16xi32> -> vector<16xf32>
          %eq3A_225 = arith.cmpi eq, %gather3A_214, %masked_sort3A_155 : vector<16xi32>
          %and3A_226 = arith.andi %eq3A_225, %ge3A_38 : vector<16xi1>
          %jit3A_227 = arith.constant -3.000000e+38 : f32
          %broadcast_in_dim3A_228 = vector.broadcast %jit3A_227 : f32 to vector<16xf32>
          %select_n3A_229 = arith.select %and3A_226, %gather3A_224, %broadcast_in_dim3A_228 : vector<16xi1>, vector<16xf32>
          %max3A_230 = arith.maximumf %max3A_204, %select_n3A_229 : vector<16xf32>
          %lt3A_231 = arith.constant 0 : i32
          %lt3A_232 = vector.broadcast %lt3A_231 : i32 to vector<16xi32>
          %lt3A_233 = arith.cmpi slt, %max3A_44, %lt3A_232 : vector<16xi32>
          %add3A_234 = arith.constant 16 : i32
          %add3A_235 = vector.broadcast %add3A_234 : i32 to vector<16xi32>
          %add3A_236 = arith.addi %max3A_44, %add3A_235 : vector<16xi32>
          %select_n3A_237 = arith.select %lt3A_233, %add3A_236, %max3A_44 : vector<16xi1>, vector<16xi32>
          %broadcast_in_dim3A_238 = vector.shape_cast %select_n3A_237 : vector<16xi32> to vector<16x1xi32>
          %gather3A_239 = vector.shape_cast %broadcast_in_dim3A_238 : vector<16x1xi32> to vector<16xi32>
          %gather3A_240 = tpu.dynamic_gather %masked_sort3A_155[%gather3A_239] in [0] : vector<16xi32>, vector<16xi32> -> vector<16xi32>
          %lt3A_241 = arith.constant 0 : i32
          %lt3A_242 = vector.broadcast %lt3A_241 : i32 to vector<16xi32>
          %lt3A_243 = arith.cmpi slt, %max3A_44, %lt3A_242 : vector<16xi32>
          %add3A_244 = arith.constant 16 : i32
          %add3A_245 = vector.broadcast %add3A_244 : i32 to vector<16xi32>
          %add3A_246 = arith.addi %max3A_44, %add3A_245 : vector<16xi32>
          %select_n3A_247 = arith.select %lt3A_243, %add3A_246, %max3A_44 : vector<16xi1>, vector<16xi32>
          %broadcast_in_dim3A_248 = vector.shape_cast %select_n3A_247 : vector<16xi32> to vector<16x1xi32>
          %gather3A_249 = vector.shape_cast %broadcast_in_dim3A_248 : vector<16x1xi32> to vector<16xi32>
          %gather3A_250 = tpu.dynamic_gather %max3A_230[%gather3A_249] in [0] : vector<16xf32>, vector<16xi32> -> vector<16xf32>
          %eq3A_251 = arith.cmpi eq, %gather3A_240, %masked_sort3A_155 : vector<16xi32>
          %and3A_252 = arith.andi %eq3A_251, %ge3A_47 : vector<16xi1>
          %jit3A_253 = arith.constant -3.000000e+38 : f32
          %broadcast_in_dim3A_254 = vector.broadcast %jit3A_253 : f32 to vector<16xf32>
          %select_n3A_255 = arith.select %and3A_252, %gather3A_250, %broadcast_in_dim3A_254 : vector<16xi1>, vector<16xf32>
          %max3A_256 = arith.maximumf %max3A_230, %select_n3A_255 : vector<16xf32>
          %lt3A_257 = arith.constant 0 : i32
          %lt3A_258 = vector.broadcast %lt3A_257 : i32 to vector<16xi32>
          %lt3A_259 = arith.cmpi slt, %min3A_12, %lt3A_258 : vector<16xi32>
          %add3A_260 = arith.constant 16 : i32
          %add3A_261 = vector.broadcast %add3A_260 : i32 to vector<16xi32>
          %add3A_262 = arith.addi %min3A_12, %add3A_261 : vector<16xi32>
          %select_n3A_263 = arith.select %lt3A_259, %add3A_262, %min3A_12 : vector<16xi1>, vector<16xi32>
          %broadcast_in_dim3A_264 = vector.shape_cast %select_n3A_263 : vector<16xi32> to vector<16x1xi32>
          %gather3A_265 = vector.shape_cast %broadcast_in_dim3A_264 : vector<16x1xi32> to vector<16xi32>
          %gather3A_266 = tpu.dynamic_gather %masked_sort3A_155[%gather3A_265] in [0] : vector<16xi32>, vector<16xi32> -> vector<16xi32>
          %ne3A = arith.cmpi ne, %gather3A_266, %masked_sort3A_155 : vector<16xi32>
          %or3A = arith.ori %ne3A, %eq3A_14 : vector<16xi1>
          %gather3A_267 = tpu.vector_load_idx %arg8[%masked_sort3A_155] : memref<10000xf32, #tpu.memory_space<vmem>>[vector<16xi32>], vector<16xf32>,
          %max3A_268 = arith.maximumf %gather3A_267, %max3A_256 : vector<16xf32>
          tpu.vector_store_idx %arg8[%masked_sort3A_155], %max3A_268 masked %or3A : memref<10000xf32, #tpu.memory_space<vmem>>[vector<16xi32>], vector<16xf32>, vector<16xi1>
        } else {
        }
      }
      %scan3A_93 = arith.constant 500 : i32
      %add3A_94 = arith.constant 1 : i32
      %add3A_95 = arith.addi %mul3A_70, %add3A_94 : i32
      %mul3A_96 = arith.constant 8000 : i32
      %mul3A_97 = arith.muli %add3A_95, %mul3A_96 : i32
      %multiple_of3A_98 = tpu.assume_multiple %mul3A_97, 8 : i32
      %mul3A_99 = arith.constant 320000 : i32
      %mul3A_100 = arith.muli %add3A, %mul3A_99 : i32
      %add3A_101 = arith.addi %mul3A_100, %multiple_of3A_98 : i32
      %multiple_of3A_102 = tpu.assume_multiple %add3A_101, 8 : i32
      %dma_wait3A_103 = tpu.memref_slice %arg3[%multiple_of3A_98] : memref<320000xi32, #tpu.memory_space<hbm>> -> memref<8000xi32, #tpu.memory_space<hbm>>
      %dma_wait3A_104 = tpu.memref_slice %arg3[%multiple_of3A_98] : memref<320000xi32, #tpu.memory_space<hbm>> -> memref<8000xi32, #tpu.memory_space<hbm>>
      tpu.wait_dma2 semaphore(%arg16 : memref<!tpu.dma_semaphore, #tpu.memory_space<semaphore_mem>>) src(%dma_wait3A_104 : memref<8000xi32, #tpu.memory_space<hbm>>) dst(%arg10 : memref<8000xi32, #tpu.memory_space<vmem>>)
      %dma_wait3A_105 = tpu.memref_slice %arg4[%multiple_of3A_98] : memref<320000xi32, #tpu.memory_space<hbm>> -> memref<8000xi32, #tpu.memory_space<hbm>>
      %dma_wait3A_106 = tpu.memref_slice %arg4[%multiple_of3A_98] : memref<320000xi32, #tpu.memory_space<hbm>> -> memref<8000xi32, #tpu.memory_space<hbm>>
      tpu.wait_dma2 semaphore(%arg18 : memref<!tpu.dma_semaphore, #tpu.memory_space<semaphore_mem>>) src(%dma_wait3A_106 : memref<8000xi32, #tpu.memory_space<hbm>>) dst(%arg12 : memref<8000xi32, #tpu.memory_space<vmem>>)
      %dma_wait3A_107 = tpu.memref_slice %arg5[%multiple_of3A_102] : memref<10240000xf32, #tpu.memory_space<hbm>> -> memref<8000xf32, #tpu.memory_space<hbm>>
      %dma_wait3A_108 = tpu.memref_slice %arg5[%multiple_of3A_102] : memref<10240000xf32, #tpu.memory_space<hbm>> -> memref<8000xf32, #tpu.memory_space<hbm>>
      tpu.wait_dma2 semaphore(%arg20 : memref<!tpu.dma_semaphore, #tpu.memory_space<semaphore_mem>>) src(%dma_wait3A_108 : memref<8000xf32, #tpu.memory_space<hbm>>) dst(%arg14 : memref<8000xf32, #tpu.memory_space<vmem>>)
      %add3A_109 = arith.constant 1 : i32
      %add3A_110 = arith.addi %add3A_95, %add3A_109 : i32
      %lt3A_111 = arith.constant 40 : i32
      %lt3A_112 = arith.cmpi slt, %add3A_110, %lt3A_111 : i32
      %convert_element_type3A_113 = arith.extui %lt3A_112 : i1 to i32
      %cond3A_114 = arith.constant 0 : i32
      %cond3A_115 = arith.cmpi ne, %convert_element_type3A_113, %cond3A_114 : i32
      scf.if %cond3A_115 {
        %add3A_121 = arith.constant 1 : i32
        %add3A_122 = arith.addi %add3A_95, %add3A_121 : i32
        %mul3A_123 = arith.constant 8000 : i32
        %mul3A_124 = arith.muli %add3A_122, %mul3A_123 : i32
        %multiple_of3A_125 = tpu.assume_multiple %mul3A_124, 8 : i32
        %mul3A_126 = arith.constant 320000 : i32
        %mul3A_127 = arith.muli %add3A, %mul3A_126 : i32
        %add3A_128 = arith.addi %mul3A_127, %multiple_of3A_125 : i32
        %multiple_of3A_129 = tpu.assume_multiple %add3A_128, 8 : i32
        %dma_start3A_130 = tpu.memref_slice %arg3[%multiple_of3A_125] : memref<320000xi32, #tpu.memory_space<hbm>> -> memref<8000xi32, #tpu.memory_space<hbm>>
        %dma_start3A_131 = tpu.memref_slice %arg3[%multiple_of3A_125] : memref<320000xi32, #tpu.memory_space<hbm>> -> memref<8000xi32, #tpu.memory_space<hbm>>
        tpu.enqueue_dma source(%dma_start3A_131 : memref<8000xi32, #tpu.memory_space<hbm>>) target(%arg9 : memref<8000xi32, #tpu.memory_space<vmem>>) target_semaphore(%arg15 : memref<!tpu.dma_semaphore, #tpu.memory_space<semaphore_mem>>)
        %dma_start3A_132 = tpu.memref_slice %arg4[%multiple_of3A_125] : memref<320000xi32, #tpu.memory_space<hbm>> -> memref<8000xi32, #tpu.memory_space<hbm>>
        %dma_start3A_133 = tpu.memref_slice %arg4[%multiple_of3A_125] : memref<320000xi32, #tpu.memory_space<hbm>> -> memref<8000xi32, #tpu.memory_space<hbm>>
        tpu.enqueue_dma source(%dma_start3A_133 : memref<8000xi32, #tpu.memory_space<hbm>>) target(%arg11 : memref<8000xi32, #tpu.memory_space<vmem>>) target_semaphore(%arg17 : memref<!tpu.dma_semaphore, #tpu.memory_space<semaphore_mem>>)
        %dma_start3A_134 = tpu.memref_slice %arg5[%multiple_of3A_129] : memref<10240000xf32, #tpu.memory_space<hbm>> -> memref<8000xf32, #tpu.memory_space<hbm>>
        %dma_start3A_135 = tpu.memref_slice %arg5[%multiple_of3A_129] : memref<10240000xf32, #tpu.memory_space<hbm>> -> memref<8000xf32, #tpu.memory_space<hbm>>
        tpu.enqueue_dma source(%dma_start3A_135 : memref<8000xf32, #tpu.memory_space<hbm>>) target(%arg13 : memref<8000xf32, #tpu.memory_space<vmem>>) target_semaphore(%arg19 : memref<!tpu.dma_semaphore, #tpu.memory_space<semaphore_mem>>)
      } else {
      }
      %scan3A_116 = arith.constant 0 : i32
      %scan3A_117 = arith.constant 500 : i32
      %scan3A_118 = arith.addi %scan3A_116, %scan3A_117 : i32
      %scan3A_119 = arith.constant 1 : i32
      scf.for %scan3A_121 = %scan3A_116 to %scan3A_118 step %scan3A_119  : i32 {
        %mul3A_122 = arith.constant 16 : i32
        %mul3A_123 = arith.muli %scan3A_121, %mul3A_122 : i32
        %multiple_of3A_124 = tpu.assume_multiple %mul3A_123, 16 : i32
        %get3A = arith.index_cast %multiple_of3A_124 : i32 to index
        %get3A_125 = tpu.vector_load %arg10[%get3A] {strides = array<i32>} : memref<8000xi32, #tpu.memory_space<vmem>>, vector<16xi32>,
        %get3A_126 = arith.index_cast %multiple_of3A_124 : i32 to index
        %get3A_127 = tpu.vector_load %arg12[%get3A_126] {strides = array<i32>} : memref<8000xi32, #tpu.memory_space<vmem>>, vector<16xi32>,
        %get3A_128 = arith.index_cast %multiple_of3A_124 : i32 to index
        %get3A_129 = tpu.vector_load %arg14[%get3A_128] {strides = array<i32>} : memref<8000xf32, #tpu.memory_space<vmem>>, vector<16xf32>,
        %gather3A = tpu.vector_load_idx %arg7[%get3A_125] : memref<10000xf32, #tpu.memory_space<vmem>>[vector<16xi32>], vector<16xf32>,
        %add3A_130 = arith.addf %gather3A, %get3A_129 : vector<16xf32>
        %broadcast_in_dim3A = arith.constant true
        %broadcast_in_dim3A_131 = vector.broadcast %broadcast_in_dim3A : i1 to vector<16xi1>
        %unique3A, %unique3A_132 = tpu.scan_count mask(%broadcast_in_dim3A_131 : vector<16xi1>) value(%get3A_127 : vector<16xi32>) : vector<16xi1>, vector<16xi32>
        %gather3A_133 = tpu.vector_load_idx %arg8[%get3A_127] : memref<10000xf32, #tpu.memory_space<vmem>>[vector<16xi32>], vector<16xf32>,
        %max3A_134 = arith.maximumf %gather3A_133, %add3A_130 : vector<16xf32>
        tpu.vector_store_idx %arg8[%get3A_127], %max3A_134 masked %unique3A : memref<10000xf32, #tpu.memory_space<vmem>>[vector<16xi32>], vector<16xf32>, vector<16xi1>
        %reduce_and3A = arith.constant 1.000000e+00 : f32
        %reduce_and3A_135 = arith.constant 0.000000e+00 : f32
        %reduce_and3A_136 = vector.broadcast %reduce_and3A : f32 to vector<16xf32>
        %reduce_and3A_137 = vector.broadcast %reduce_and3A_135 : f32 to vector<16xf32>
        %reduce_and3A_138 = arith.select %unique3A, %reduce_and3A_136, %reduce_and3A_137 : vector<16xi1>, vector<16xf32>
        %reduce_and3A_139 = arith.constant true
        %reduce_and3A_140 = vector.broadcast %reduce_and3A_139 : i1 to vector<16xi1>
        %reduce_and3A_141 = tpu.scan <min>, %reduce_and3A_138 masked %reduce_and3A_140 : vector<16xf32>, vector<16xi1> -> vector<16xf32>
        %reduce_and3A_142 = vector.extract %reduce_and3A_141[15] : f32 from vector<16xf32>
        %reduce_and3A_143 = arith.constant 0.000000e+00 : f32
        %reduce_and3A_144 = arith.cmpf ogt, %reduce_and3A_142, %reduce_and3A_143 : f32
        %not3A = arith.constant true
        %not3A_145 = arith.xori %reduce_and3A_144, %not3A : i1
        %convert_element_type3A_146 = arith.extui %not3A_145 : i1 to i32
        %cond3A_147 = arith.constant 0 : i32
        %cond3A_148 = arith.cmpi ne, %convert_element_type3A_146, %cond3A_147 : i32
        scf.if %cond3A_148 {
          %masked_sort3A = arith.constant dense<true> : vector<16xi1>
          %masked_sort3A_149 = arith.constant -2147483648 : i32
          %masked_sort3A_150 = vector.broadcast %masked_sort3A_149 : i32 to vector<16xi32>
          %masked_sort3A_151 = arith.xori %get3A_127, %masked_sort3A_150 : vector<16xi32>
          %masked_sort3A_152, %masked_sort3A_153, %masked_sort3A_154 = tpu.sort %masked_sort3A_151, %add3A_130 masked %masked_sort3A : (vector<16xi32>, vector<16xf32>, vector<16xi1>) -> (vector<16xi1>, vector<16xi32>, vector<16xf32>)
          %masked_sort3A_155 = arith.xori %masked_sort3A_153, %masked_sort3A_150 : vector<16xi32>
          %lt3A_156 = arith.constant 0 : i32
          %lt3A_157 = vector.broadcast %lt3A_156 : i32 to vector<16xi32>
          %lt3A_158 = arith.cmpi slt, %max3A_18, %lt3A_157 : vector<16xi32>
          %add3A_159 = arith.constant 16 : i32
          %add3A_160 = vector.broadcast %add3A_159 : i32 to vector<16xi32>
          %add3A_161 = arith.addi %max3A_18, %add3A_160 : vector<16xi32>
          %select_n3A = arith.select %lt3A_158, %add3A_161, %max3A_18 : vector<16xi1>, vector<16xi32>
          %broadcast_in_dim3A_162 = vector.shape_cast %select_n3A : vector<16xi32> to vector<16x1xi32>
          %gather3A_163 = vector.shape_cast %broadcast_in_dim3A_162 : vector<16x1xi32> to vector<16xi32>
          %gather3A_164 = tpu.dynamic_gather %masked_sort3A_155[%gather3A_163] in [0] : vector<16xi32>, vector<16xi32> -> vector<16xi32>
          %lt3A_165 = arith.constant 0 : i32
          %lt3A_166 = vector.broadcast %lt3A_165 : i32 to vector<16xi32>
          %lt3A_167 = arith.cmpi slt, %max3A_18, %lt3A_166 : vector<16xi32>
          %add3A_168 = arith.constant 16 : i32
          %add3A_169 = vector.broadcast %add3A_168 : i32 to vector<16xi32>
          %add3A_170 = arith.addi %max3A_18, %add3A_169 : vector<16xi32>
          %select_n3A_171 = arith.select %lt3A_167, %add3A_170, %max3A_18 : vector<16xi1>, vector<16xi32>
          %broadcast_in_dim3A_172 = vector.shape_cast %select_n3A_171 : vector<16xi32> to vector<16x1xi32>
          %gather3A_173 = vector.shape_cast %broadcast_in_dim3A_172 : vector<16x1xi32> to vector<16xi32>
          %gather3A_174 = tpu.dynamic_gather %masked_sort3A_154[%gather3A_173] in [0] : vector<16xf32>, vector<16xi32> -> vector<16xf32>
          %eq3A_175 = arith.cmpi eq, %gather3A_164, %masked_sort3A_155 : vector<16xi32>
          %and3A = arith.andi %eq3A_175, %ge3A_20 : vector<16xi1>
          %jit3A = arith.constant -3.000000e+38 : f32
          %broadcast_in_dim3A_176 = vector.broadcast %jit3A : f32 to vector<16xf32>
          %select_n3A_177 = arith.select %and3A, %gather3A_174, %broadcast_in_dim3A_176 : vector<16xi1>, vector<16xf32>
          %max3A_178 = arith.maximumf %masked_sort3A_154, %select_n3A_177 : vector<16xf32>
          %lt3A_179 = arith.constant 0 : i32
          %lt3A_180 = vector.broadcast %lt3A_179 : i32 to vector<16xi32>
          %lt3A_181 = arith.cmpi slt, %max3A_26, %lt3A_180 : vector<16xi32>
          %add3A_182 = arith.constant 16 : i32
          %add3A_183 = vector.broadcast %add3A_182 : i32 to vector<16xi32>
          %add3A_184 = arith.addi %max3A_26, %add3A_183 : vector<16xi32>
          %select_n3A_185 = arith.select %lt3A_181, %add3A_184, %max3A_26 : vector<16xi1>, vector<16xi32>
          %broadcast_in_dim3A_186 = vector.shape_cast %select_n3A_185 : vector<16xi32> to vector<16x1xi32>
          %gather3A_187 = vector.shape_cast %broadcast_in_dim3A_186 : vector<16x1xi32> to vector<16xi32>
          %gather3A_188 = tpu.dynamic_gather %masked_sort3A_155[%gather3A_187] in [0] : vector<16xi32>, vector<16xi32> -> vector<16xi32>
          %lt3A_189 = arith.constant 0 : i32
          %lt3A_190 = vector.broadcast %lt3A_189 : i32 to vector<16xi32>
          %lt3A_191 = arith.cmpi slt, %max3A_26, %lt3A_190 : vector<16xi32>
          %add3A_192 = arith.constant 16 : i32
          %add3A_193 = vector.broadcast %add3A_192 : i32 to vector<16xi32>
          %add3A_194 = arith.addi %max3A_26, %add3A_193 : vector<16xi32>
          %select_n3A_195 = arith.select %lt3A_191, %add3A_194, %max3A_26 : vector<16xi1>, vector<16xi32>
          %broadcast_in_dim3A_196 = vector.shape_cast %select_n3A_195 : vector<16xi32> to vector<16x1xi32>
          %gather3A_197 = vector.shape_cast %broadcast_in_dim3A_196 : vector<16x1xi32> to vector<16xi32>
          %gather3A_198 = tpu.dynamic_gather %max3A_178[%gather3A_197] in [0] : vector<16xf32>, vector<16xi32> -> vector<16xf32>
          %eq3A_199 = arith.cmpi eq, %gather3A_188, %masked_sort3A_155 : vector<16xi32>
          %and3A_200 = arith.andi %eq3A_199, %ge3A_29 : vector<16xi1>
          %jit3A_201 = arith.constant -3.000000e+38 : f32
          %broadcast_in_dim3A_202 = vector.broadcast %jit3A_201 : f32 to vector<16xf32>
          %select_n3A_203 = arith.select %and3A_200, %gather3A_198, %broadcast_in_dim3A_202 : vector<16xi1>, vector<16xf32>
          %max3A_204 = arith.maximumf %max3A_178, %select_n3A_203 : vector<16xf32>
          %lt3A_205 = arith.constant 0 : i32
          %lt3A_206 = vector.broadcast %lt3A_205 : i32 to vector<16xi32>
          %lt3A_207 = arith.cmpi slt, %max3A_35, %lt3A_206 : vector<16xi32>
          %add3A_208 = arith.constant 16 : i32
          %add3A_209 = vector.broadcast %add3A_208 : i32 to vector<16xi32>
          %add3A_210 = arith.addi %max3A_35, %add3A_209 : vector<16xi32>
          %select_n3A_211 = arith.select %lt3A_207, %add3A_210, %max3A_35 : vector<16xi1>, vector<16xi32>
          %broadcast_in_dim3A_212 = vector.shape_cast %select_n3A_211 : vector<16xi32> to vector<16x1xi32>
          %gather3A_213 = vector.shape_cast %broadcast_in_dim3A_212 : vector<16x1xi32> to vector<16xi32>
          %gather3A_214 = tpu.dynamic_gather %masked_sort3A_155[%gather3A_213] in [0] : vector<16xi32>, vector<16xi32> -> vector<16xi32>
          %lt3A_215 = arith.constant 0 : i32
          %lt3A_216 = vector.broadcast %lt3A_215 : i32 to vector<16xi32>
          %lt3A_217 = arith.cmpi slt, %max3A_35, %lt3A_216 : vector<16xi32>
          %add3A_218 = arith.constant 16 : i32
          %add3A_219 = vector.broadcast %add3A_218 : i32 to vector<16xi32>
          %add3A_220 = arith.addi %max3A_35, %add3A_219 : vector<16xi32>
          %select_n3A_221 = arith.select %lt3A_217, %add3A_220, %max3A_35 : vector<16xi1>, vector<16xi32>
          %broadcast_in_dim3A_222 = vector.shape_cast %select_n3A_221 : vector<16xi32> to vector<16x1xi32>
          %gather3A_223 = vector.shape_cast %broadcast_in_dim3A_222 : vector<16x1xi32> to vector<16xi32>
          %gather3A_224 = tpu.dynamic_gather %max3A_204[%gather3A_223] in [0] : vector<16xf32>, vector<16xi32> -> vector<16xf32>
          %eq3A_225 = arith.cmpi eq, %gather3A_214, %masked_sort3A_155 : vector<16xi32>
          %and3A_226 = arith.andi %eq3A_225, %ge3A_38 : vector<16xi1>
          %jit3A_227 = arith.constant -3.000000e+38 : f32
          %broadcast_in_dim3A_228 = vector.broadcast %jit3A_227 : f32 to vector<16xf32>
          %select_n3A_229 = arith.select %and3A_226, %gather3A_224, %broadcast_in_dim3A_228 : vector<16xi1>, vector<16xf32>
          %max3A_230 = arith.maximumf %max3A_204, %select_n3A_229 : vector<16xf32>
          %lt3A_231 = arith.constant 0 : i32
          %lt3A_232 = vector.broadcast %lt3A_231 : i32 to vector<16xi32>
          %lt3A_233 = arith.cmpi slt, %max3A_44, %lt3A_232 : vector<16xi32>
          %add3A_234 = arith.constant 16 : i32
          %add3A_235 = vector.broadcast %add3A_234 : i32 to vector<16xi32>
          %add3A_236 = arith.addi %max3A_44, %add3A_235 : vector<16xi32>
          %select_n3A_237 = arith.select %lt3A_233, %add3A_236, %max3A_44 : vector<16xi1>, vector<16xi32>
          %broadcast_in_dim3A_238 = vector.shape_cast %select_n3A_237 : vector<16xi32> to vector<16x1xi32>
          %gather3A_239 = vector.shape_cast %broadcast_in_dim3A_238 : vector<16x1xi32> to vector<16xi32>
          %gather3A_240 = tpu.dynamic_gather %masked_sort3A_155[%gather3A_239] in [0] : vector<16xi32>, vector<16xi32> -> vector<16xi32>
          %lt3A_241 = arith.constant 0 : i32
          %lt3A_242 = vector.broadcast %lt3A_241 : i32 to vector<16xi32>
          %lt3A_243 = arith.cmpi slt, %max3A_44, %lt3A_242 : vector<16xi32>
          %add3A_244 = arith.constant 16 : i32
          %add3A_245 = vector.broadcast %add3A_244 : i32 to vector<16xi32>
          %add3A_246 = arith.addi %max3A_44, %add3A_245 : vector<16xi32>
          %select_n3A_247 = arith.select %lt3A_243, %add3A_246, %max3A_44 : vector<16xi1>, vector<16xi32>
          %broadcast_in_dim3A_248 = vector.shape_cast %select_n3A_247 : vector<16xi32> to vector<16x1xi32>
          %gather3A_249 = vector.shape_cast %broadcast_in_dim3A_248 : vector<16x1xi32> to vector<16xi32>
          %gather3A_250 = tpu.dynamic_gather %max3A_230[%gather3A_249] in [0] : vector<16xf32>, vector<16xi32> -> vector<16xf32>
          %eq3A_251 = arith.cmpi eq, %gather3A_240, %masked_sort3A_155 : vector<16xi32>
          %and3A_252 = arith.andi %eq3A_251, %ge3A_47 : vector<16xi1>
          %jit3A_253 = arith.constant -3.000000e+38 : f32
          %broadcast_in_dim3A_254 = vector.broadcast %jit3A_253 : f32 to vector<16xf32>
          %select_n3A_255 = arith.select %and3A_252, %gather3A_250, %broadcast_in_dim3A_254 : vector<16xi1>, vector<16xf32>
          %max3A_256 = arith.maximumf %max3A_230, %select_n3A_255 : vector<16xf32>
          %lt3A_257 = arith.constant 0 : i32
          %lt3A_258 = vector.broadcast %lt3A_257 : i32 to vector<16xi32>
          %lt3A_259 = arith.cmpi slt, %min3A_12, %lt3A_258 : vector<16xi32>
          %add3A_260 = arith.constant 16 : i32
          %add3A_261 = vector.broadcast %add3A_260 : i32 to vector<16xi32>
          %add3A_262 = arith.addi %min3A_12, %add3A_261 : vector<16xi32>
          %select_n3A_263 = arith.select %lt3A_259, %add3A_262, %min3A_12 : vector<16xi1>, vector<16xi32>
          %broadcast_in_dim3A_264 = vector.shape_cast %select_n3A_263 : vector<16xi32> to vector<16x1xi32>
          %gather3A_265 = vector.shape_cast %broadcast_in_dim3A_264 : vector<16x1xi32> to vector<16xi32>
          %gather3A_266 = tpu.dynamic_gather %masked_sort3A_155[%gather3A_265] in [0] : vector<16xi32>, vector<16xi32> -> vector<16xi32>
          %ne3A = arith.cmpi ne, %gather3A_266, %masked_sort3A_155 : vector<16xi32>
          %or3A = arith.ori %ne3A, %eq3A_14 : vector<16xi1>
          %gather3A_267 = tpu.vector_load_idx %arg8[%masked_sort3A_155] : memref<10000xf32, #tpu.memory_space<vmem>>[vector<16xi32>], vector<16xf32>,
          %max3A_268 = arith.maximumf %gather3A_267, %max3A_256 : vector<16xf32>
          tpu.vector_store_idx %arg8[%masked_sort3A_155], %max3A_268 masked %or3A : memref<10000xf32, #tpu.memory_space<vmem>>[vector<16xi32>], vector<16xf32>, vector<16xi1>
        } else {
        }
      }
      %scan3A_120 = arith.constant 500 : i32
    }
    %scan3A_64 = arith.constant 20 : i32
    %mul3A_65 = arith.constant 10000 : i32
    %mul3A_66 = arith.muli %add3A, %mul3A_65 : i32
    %multiple_of3A_67 = tpu.assume_multiple %mul3A_66, 8 : i32
    "tpu.region"() ({
      %run_scoped3A = tpu.sem_alloc : memref<!tpu.dma_semaphore, #tpu.memory_space<semaphore_mem>>
      %dma_start3A_68 = tpu.memref_slice %arg6[%multiple_of3A_67] : memref<320000xf32, #tpu.memory_space<hbm>> -> memref<10000xf32, #tpu.memory_space<hbm>>
      %dma_start3A_69 = tpu.memref_slice %arg6[%multiple_of3A_67] : memref<320000xf32, #tpu.memory_space<hbm>> -> memref<10000xf32, #tpu.memory_space<hbm>>
      tpu.enqueue_dma source(%arg8 : memref<10000xf32, #tpu.memory_space<vmem>>) target(%dma_start3A_69 : memref<10000xf32, #tpu.memory_space<hbm>>) target_semaphore(%run_scoped3A : memref<!tpu.dma_semaphore, #tpu.memory_space<semaphore_mem>>)
      %dma_wait3A = tpu.memref_slice %arg6[%multiple_of3A_67] : memref<320000xf32, #tpu.memory_space<hbm>> -> memref<10000xf32, #tpu.memory_space<hbm>>
      %dma_wait3A_70 = tpu.memref_slice %arg6[%multiple_of3A_67] : memref<320000xf32, #tpu.memory_space<hbm>> -> memref<10000xf32, #tpu.memory_space<hbm>>
      tpu.wait_dma2 semaphore(%run_scoped3A : memref<!tpu.dma_semaphore, #tpu.memory_space<semaphore_mem>>) src(%arg8 : memref<10000xf32, #tpu.memory_space<vmem>>) dst(%dma_wait3A_70 : memref<10000xf32, #tpu.memory_space<hbm>>)
      tpu.yield
    }) : () -> ()
    return
  }
}

module attributes {stable_mosaic.version = 14 : i64} {
  func.func @_proj_t_body(%arg0: i32, %arg1: memref<16x32xf32, #tpu.memory_space<vmem>>, %arg2: memref<16000x16xf32, #tpu.memory_space<vmem>>, %arg3: memref<32x16000xf32, #tpu.memory_space<vmem>>) attributes {dimension_semantics = [#tpu.dimension_semantics<arbitrary>], iteration_bounds = array<i64: 20>, scalar_prefetch = 0 : i64, scratch_operands = 0 : i64, tpu.core_type = #tpu.core_type<tc>, window_params = [{pipeline_mode = #tpu.pipeline_mode<synchronous>, transform_indices = @transform_0, window_bounds = array<i64: 16, 32>}, {transform_indices = @transform_1, window_bounds = array<i64: 16000, 16>}, {transform_indices = @transform_2, window_bounds = array<i64: 32, 16000>}]} {
    %get3A = arith.constant 0 : index
    %get3A_0 = arith.constant 0 : index
    %get3A_1 = vector.load %arg1[%get3A, %get3A_0] : memref<16x32xf32, #tpu.memory_space<vmem>>, vector<16x32xf32>
    %get3A_2 = arith.constant 0 : index
    %get3A_3 = arith.constant 0 : index
    %get3A_4 = vector.load %arg2[%get3A_2, %get3A_3] : memref<16000x16xf32, #tpu.memory_space<vmem>>, vector<16000x16xf32>
    %dot_general3A = arith.constant dense<0.000000e+00> : vector<32x16000xf32>
    %dot_general3A_5 = tpu.matmul %get3A_1, %get3A_4, %dot_general3A {dimension_numbers = #tpu.dot_dimension_numbers<[0], [1], [1], [0], [0, 1, 1, 0], [], []>, transpose_lhs_hint = false} : vector<16x32xf32>, vector<16000x16xf32>, vector<32x16000xf32> -> vector<32x16000xf32>
    %swap3A = arith.constant 0 : index
    %swap3A_6 = arith.constant 0 : index
    %swap3A_7 = vector.load %arg3[%swap3A, %swap3A_6] : memref<32x16000xf32, #tpu.memory_space<vmem>>, vector<32x16000xf32>
    tpu.vector_store %arg3[%swap3A, %swap3A_6], %dot_general3A_5 {strides = array<i32>} : memref<32x16000xf32, #tpu.memory_space<vmem>>, vector<32x16000xf32>,
    return
  }
  func.func @transform_0(%arg0: i32) -> (i32, i32) {
    %c0_i32 = arith.constant 0 : i32
    %c0_i32_0 = arith.constant 0 : i32
    %c0_i32_1 = arith.constant 0 : i32
    return %c0_i32, %c0_i32_0 : i32, i32
  }
  func.func @transform_1(%arg0: i32) -> (i32, i32) {
    %c0_i32 = arith.constant 0 : i32
    %c0_i32_0 = arith.constant 0 : i32
    return %arg0, %c0_i32 : i32, i32
  }
  func.func @transform_2(%arg0: i32) -> (i32, i32) {
    %c0_i32 = arith.constant 0 : i32
    %c0_i32_0 = arith.constant 0 : i32
    return %c0_i32, %arg0 : i32, i32
  }
}

module attributes {stable_mosaic.version = 14 : i64} {
  func.func @_proj_t_body(%arg0: i32, %arg1: memref<128x32xf32, #tpu.memory_space<vmem>>, %arg2: memref<10000x128xf32, #tpu.memory_space<vmem>>, %arg3: memref<32x10000xf32, #tpu.memory_space<vmem>>) attributes {dimension_semantics = [#tpu.dimension_semantics<arbitrary>], iteration_bounds = array<i64: 1>, scalar_prefetch = 0 : i64, scratch_operands = 0 : i64, tpu.core_type = #tpu.core_type<tc>, window_params = [{pipeline_mode = #tpu.pipeline_mode<synchronous>, transform_indices = @transform_0, window_bounds = array<i64: 128, 32>}, {transform_indices = @transform_1, window_bounds = array<i64: 10000, 128>}, {transform_indices = @transform_2, window_bounds = array<i64: 32, 10000>}]} {
    %get3A = arith.constant 0 : index
    %get3A_0 = arith.constant 0 : index
    %get3A_1 = vector.load %arg1[%get3A, %get3A_0] : memref<128x32xf32, #tpu.memory_space<vmem>>, vector<128x32xf32>
    %get3A_2 = arith.constant 0 : index
    %get3A_3 = arith.constant 0 : index
    %get3A_4 = vector.load %arg2[%get3A_2, %get3A_3] : memref<10000x128xf32, #tpu.memory_space<vmem>>, vector<10000x128xf32>
    %dot_general3A = arith.constant dense<0.000000e+00> : vector<32x10000xf32>
    %dot_general3A_5 = tpu.matmul %get3A_1, %get3A_4, %dot_general3A {dimension_numbers = #tpu.dot_dimension_numbers<[0], [1], [1], [0], [0, 1, 1, 0], [], []>, transpose_lhs_hint = false} : vector<128x32xf32>, vector<10000x128xf32>, vector<32x10000xf32> -> vector<32x10000xf32>
    %swap3A = arith.constant 0 : index
    %swap3A_6 = arith.constant 0 : index
    %swap3A_7 = vector.load %arg3[%swap3A, %swap3A_6] : memref<32x10000xf32, #tpu.memory_space<vmem>>, vector<32x10000xf32>
    tpu.vector_store %arg3[%swap3A, %swap3A_6], %dot_general3A_5 {strides = array<i32>} : memref<32x10000xf32, #tpu.memory_space<vmem>>, vector<32x10000xf32>,
    return
  }
  func.func @transform_0(%arg0: i32) -> (i32, i32) {
    %c0_i32 = arith.constant 0 : i32
    %c0_i32_0 = arith.constant 0 : i32
    %c0_i32_1 = arith.constant 0 : i32
    return %c0_i32, %c0_i32_0 : i32, i32
  }
  func.func @transform_1(%arg0: i32) -> (i32, i32) {
    %c0_i32 = arith.constant 0 : i32
    %c0_i32_0 = arith.constant 0 : i32
    return %arg0, %c0_i32 : i32, i32
  }
  func.func @transform_2(%arg0: i32) -> (i32, i32) {
    %c0_i32 = arith.constant 0 : i32
    %c0_i32_0 = arith.constant 0 : i32
    return %c0_i32, %arg0 : i32, i32
  }
}

module attributes {stable_mosaic.version = 14 : i64} {
  func.func @_post_body(%arg0: i32, %arg1: memref<10000x128xf32, #tpu.memory_space<vmem>>, %arg2: memref<32x10000xf32, #tpu.memory_space<vmem>>, %arg3: memref<1x16xf32, #tpu.memory_space<vmem>>, %arg4: memref<128x32xf32, #tpu.memory_space<vmem>>, %arg5: memref<16x32xf32, #tpu.memory_space<vmem>>, %arg6: memref<32x1xf32, #tpu.memory_space<vmem>>, %arg7: memref<128x64xf32, #tpu.memory_space<vmem>>, %arg8: memref<32x64xf32, #tpu.memory_space<vmem>>, %arg9: memref<16x64xf32, #tpu.memory_space<vmem>>, %arg10: memref<64xf32, #tpu.memory_space<vmem>>, %arg11: memref<64x64xf32, #tpu.memory_space<vmem>>, %arg12: memref<64xf32, #tpu.memory_space<vmem>>, %arg13: memref<10000x64xf32, #tpu.memory_space<vmem>>) attributes {dimension_semantics = [#tpu.dimension_semantics<arbitrary>], iteration_bounds = array<i64: 1>, scalar_prefetch = 0 : i64, scratch_operands = 0 : i64, tpu.core_type = #tpu.core_type<tc>, window_params = [{transform_indices = @transform_0, window_bounds = array<i64: 10000, 128>}, {transform_indices = @transform_1, window_bounds = array<i64: 32, 10000>}, {pipeline_mode = #tpu.pipeline_mode<synchronous>, transform_indices = @transform_2, window_bounds = array<i64: 1, 16>}, {pipeline_mode = #tpu.pipeline_mode<synchronous>, transform_indices = @transform_3, window_bounds = array<i64: 128, 32>}, {pipeline_mode = #tpu.pipeline_mode<synchronous>, transform_indices = @transform_4, window_bounds = array<i64: 16, 32>}, {pipeline_mode = #tpu.pipeline_mode<synchronous>, transform_indices = @transform_5, window_bounds = array<i64: 32, 1>}, {pipeline_mode = #tpu.pipeline_mode<synchronous>, transform_indices = @transform_6, window_bounds = array<i64: 128, 64>}, {pipeline_mode = #tpu.pipeline_mode<synchronous>, transform_indices = @transform_7, window_bounds = array<i64: 32, 64>}, {pipeline_mode = #tpu.pipeline_mode<synchronous>, transform_indices = @transform_8, window_bounds = array<i64: 16, 64>}, {pipeline_mode = #tpu.pipeline_mode<synchronous>, transform_indices = @transform_9, window_bounds = array<i64: 64>}, {pipeline_mode = #tpu.pipeline_mode<synchronous>, transform_indices = @transform_10, window_bounds = array<i64: 64, 64>}, {pipeline_mode = #tpu.pipeline_mode<synchronous>, transform_indices = @transform_11, window_bounds = array<i64: 64>}, {transform_indices = @transform_12, window_bounds = array<i64: 10000, 64>}]} {
    %get3A = arith.constant 0 : index
    %get3A_0 = arith.constant 0 : index
    %get3A_1 = vector.load %arg3[%get3A, %get3A_0] : memref<1x16xf32, #tpu.memory_space<vmem>>, vector<1x16xf32>
    %get3A_2 = arith.constant 0 : index
    %get3A_3 = arith.constant 0 : index
    %get3A_4 = vector.load %arg5[%get3A_2, %get3A_3] : memref<16x32xf32, #tpu.memory_space<vmem>>, vector<16x32xf32>
    %dot_general3A = arith.constant dense<0.000000e+00> : vector<32x1xf32>
    %dot_general3A_5 = tpu.matmul %get3A_4, %get3A_1, %dot_general3A {dimension_numbers = #tpu.dot_dimension_numbers<[0], [1], [1], [0], [0, 1, 1, 0], [], []>, transpose_lhs_hint = false} : vector<16x32xf32>, vector<1x16xf32>, vector<32x1xf32> -> vector<32x1xf32>
    %get3A_6 = arith.constant 0 : index
    %get3A_7 = arith.constant 0 : index
    %get3A_8 = vector.load %arg6[%get3A_6, %get3A_7] : memref<32x1xf32, #tpu.memory_space<vmem>>, vector<32x1xf32>
    %add3A = arith.addf %dot_general3A_5, %get3A_8 : vector<32x1xf32>
    %get3A_9 = arith.constant 0 : index
    %get3A_10 = arith.constant 0 : index
    %get3A_11 = vector.load %arg4[%get3A_9, %get3A_10] : memref<128x32xf32, #tpu.memory_space<vmem>>, vector<128x32xf32>
    %get3A_12 = arith.constant 0 : index
    %get3A_13 = arith.constant 0 : index
    %get3A_14 = vector.load %arg1[%get3A_12, %get3A_13] : memref<10000x128xf32, #tpu.memory_space<vmem>>, vector<10000x128xf32>
    %dot_general3A_15 = arith.constant dense<0.000000e+00> : vector<32x10000xf32>
    %dot_general3A_16 = tpu.matmul %get3A_11, %get3A_14, %dot_general3A_15 {dimension_numbers = #tpu.dot_dimension_numbers<[0], [1], [1], [0], [0, 1, 1, 0], [], []>, transpose_lhs_hint = false} : vector<128x32xf32>, vector<10000x128xf32>, vector<32x10000xf32> -> vector<32x10000xf32>
    %get3A_17 = arith.constant 0 : index
    %get3A_18 = arith.constant 0 : index
    %get3A_19 = vector.load %arg2[%get3A_17, %get3A_18] : memref<32x10000xf32, #tpu.memory_space<vmem>>, vector<32x10000xf32>
    %add3A_20 = arith.addf %get3A_19, %dot_general3A_16 : vector<32x10000xf32>
    %add3A_21 = vector.broadcast %add3A : vector<32x1xf32> to vector<32x10000xf32>
    %add3A_22 = arith.addf %add3A_20, %add3A_21 : vector<32x10000xf32>
    %max3A = arith.constant 0.000000e+00 : f32
    %max3A_23 = vector.broadcast %max3A : f32 to vector<32x10000xf32>
    %max3A_24 = arith.maximumf %add3A_22, %max3A_23 : vector<32x10000xf32>
    %get3A_25 = arith.constant 0 : index
    %get3A_26 = arith.constant 0 : index
    %get3A_27 = vector.load %arg9[%get3A_25, %get3A_26] : memref<16x64xf32, #tpu.memory_space<vmem>>, vector<16x64xf32>
    %dot_general3A_28 = arith.constant dense<0.000000e+00> : vector<1x64xf32>
    %dot_general3A_29 = tpu.matmul %get3A_1, %get3A_27, %dot_general3A_28 {dimension_numbers = #tpu.dot_dimension_numbers<[1], [0], [0], [1], [0, 0, 1, 1], [], []>, transpose_lhs_hint = false} : vector<1x16xf32>, vector<16x64xf32>, vector<1x64xf32> -> vector<1x64xf32>
    %get3A_30 = arith.constant 0 : index
    %get3A_31 = vector.load %arg10[%get3A_30] : memref<64xf32, #tpu.memory_space<vmem>>, vector<64xf32>
    %broadcast_in_dim3A = vector.shape_cast %get3A_31 : vector<64xf32> to vector<1x64xf32>
    %add3A_32 = arith.addf %dot_general3A_29, %broadcast_in_dim3A : vector<1x64xf32>
    %get3A_33 = arith.constant 0 : index
    %get3A_34 = arith.constant 0 : index
    %get3A_35 = vector.load %arg1[%get3A_33, %get3A_34] : memref<10000x128xf32, #tpu.memory_space<vmem>>, vector<10000x128xf32>
    %get3A_36 = arith.constant 0 : index
    %get3A_37 = arith.constant 0 : index
    %get3A_38 = vector.load %arg7[%get3A_36, %get3A_37] : memref<128x64xf32, #tpu.memory_space<vmem>>, vector<128x64xf32>
    %dot_general3A_39 = arith.constant dense<0.000000e+00> : vector<10000x64xf32>
    %dot_general3A_40 = tpu.matmul %get3A_35, %get3A_38, %dot_general3A_39 {dimension_numbers = #tpu.dot_dimension_numbers<[1], [0], [0], [1], [0, 0, 1, 1], [], []>, transpose_lhs_hint = false} : vector<10000x128xf32>, vector<128x64xf32>, vector<10000x64xf32> -> vector<10000x64xf32>
    %get3A_41 = arith.constant 0 : index
    %get3A_42 = arith.constant 0 : index
    %get3A_43 = vector.load %arg8[%get3A_41, %get3A_42] : memref<32x64xf32, #tpu.memory_space<vmem>>, vector<32x64xf32>
    %dot_general3A_44 = arith.constant dense<0.000000e+00> : vector<10000x64xf32>
    %dot_general3A_45 = tpu.matmul %max3A_24, %get3A_43, %dot_general3A_44 {dimension_numbers = #tpu.dot_dimension_numbers<[0], [0], [1], [1], [0, 1, 1, 1], [], []>, transpose_lhs_hint = false} : vector<32x10000xf32>, vector<32x64xf32>, vector<10000x64xf32> -> vector<10000x64xf32>
    %add3A_46 = arith.addf %dot_general3A_40, %dot_general3A_45 : vector<10000x64xf32>
    %add3A_47 = vector.broadcast %add3A_32 : vector<1x64xf32> to vector<10000x64xf32>
    %add3A_48 = arith.addf %add3A_46, %add3A_47 : vector<10000x64xf32>
    %max3A_49 = arith.constant 0.000000e+00 : f32
    %max3A_50 = vector.broadcast %max3A_49 : f32 to vector<10000x64xf32>
    %max3A_51 = arith.maximumf %add3A_48, %max3A_50 : vector<10000x64xf32>
    %get3A_52 = arith.constant 0 : index
    %get3A_53 = arith.constant 0 : index
    %get3A_54 = vector.load %arg11[%get3A_52, %get3A_53] : memref<64x64xf32, #tpu.memory_space<vmem>>, vector<64x64xf32>
    %dot_general3A_55 = arith.constant dense<0.000000e+00> : vector<10000x64xf32>
    %dot_general3A_56 = tpu.matmul %max3A_51, %get3A_54, %dot_general3A_55 {dimension_numbers = #tpu.dot_dimension_numbers<[1], [0], [0], [1], [0, 0, 1, 1], [], []>, transpose_lhs_hint = false} : vector<10000x64xf32>, vector<64x64xf32>, vector<10000x64xf32> -> vector<10000x64xf32>
    %get3A_57 = arith.constant 0 : index
    %get3A_58 = vector.load %arg12[%get3A_57] : memref<64xf32, #tpu.memory_space<vmem>>, vector<64xf32>
    %broadcast_in_dim3A_59 = vector.shape_cast %get3A_58 : vector<64xf32> to vector<1x64xf32>
    %add3A_60 = vector.broadcast %broadcast_in_dim3A_59 : vector<1x64xf32> to vector<10000x64xf32>
    %add3A_61 = arith.addf %dot_general3A_56, %add3A_60 : vector<10000x64xf32>
    %max3A_62 = arith.constant 0.000000e+00 : f32
    %max3A_63 = vector.broadcast %max3A_62 : f32 to vector<10000x64xf32>
    %max3A_64 = arith.maximumf %add3A_61, %max3A_63 : vector<10000x64xf32>
    %swap3A = arith.constant 0 : index
    %swap3A_65 = arith.constant 0 : index
    %swap3A_66 = vector.load %arg13[%swap3A, %swap3A_65] : memref<10000x64xf32, #tpu.memory_space<vmem>>, vector<10000x64xf32>
    tpu.vector_store %arg13[%swap3A, %swap3A_65], %max3A_64 {strides = array<i32>} : memref<10000x64xf32, #tpu.memory_space<vmem>>, vector<10000x64xf32>,
    return
  }
  func.func @transform_0(%arg0: i32) -> (i32, i32) {
    %c0_i32 = arith.constant 0 : i32
    %c0_i32_0 = arith.constant 0 : i32
    return %arg0, %c0_i32 : i32, i32
  }
  func.func @transform_1(%arg0: i32) -> (i32, i32) {
    %c0_i32 = arith.constant 0 : i32
    %c0_i32_0 = arith.constant 0 : i32
    return %c0_i32, %arg0 : i32, i32
  }
  func.func @transform_2(%arg0: i32) -> (i32, i32) {
    %c0_i32 = arith.constant 0 : i32
    %c0_i32_0 = arith.constant 0 : i32
    %c0_i32_1 = arith.constant 0 : i32
    return %c0_i32, %c0_i32_0 : i32, i32
  }
  func.func @transform_3(%arg0: i32) -> (i32, i32) {
    %c0_i32 = arith.constant 0 : i32
    %c0_i32_0 = arith.constant 0 : i32
    %c0_i32_1 = arith.constant 0 : i32
    return %c0_i32, %c0_i32_0 : i32, i32
  }
  func.func @transform_4(%arg0: i32) -> (i32, i32) {
    %c0_i32 = arith.constant 0 : i32
    %c0_i32_0 = arith.constant 0 : i32
    %c0_i32_1 = arith.constant 0 : i32
    return %c0_i32, %c0_i32_0 : i32, i32
  }
  func.func @transform_5(%arg0: i32) -> (i32, i32) {
    %c0_i32 = arith.constant 0 : i32
    %c0_i32_0 = arith.constant 0 : i32
    %c0_i32_1 = arith.constant 0 : i32
    return %c0_i32, %c0_i32_0 : i32, i32
  }
  func.func @transform_6(%arg0: i32) -> (i32, i32) {
    %c0_i32 = arith.constant 0 : i32
    %c0_i32_0 = arith.constant 0 : i32
    %c0_i32_1 = arith.constant 0 : i32
    return %c0_i32, %c0_i32_0 : i32, i32
  }
  func.func @transform_7(%arg0: i32) -> (i32, i32) {
    %c0_i32 = arith.constant 0 : i32
    %c0_i32_0 = arith.constant 0 : i32
    %c0_i32_1 = arith.constant 0 : i32
    return %c0_i32, %c0_i32_0 : i32, i32
  }
  func.func @transform_8(%arg0: i32) -> (i32, i32) {
    %c0_i32 = arith.constant 0 : i32
    %c0_i32_0 = arith.constant 0 : i32
    %c0_i32_1 = arith.constant 0 : i32
    return %c0_i32, %c0_i32_0 : i32, i32
  }
  func.func @transform_9(%arg0: i32) -> i32 {
    %c0_i32 = arith.constant 0 : i32
    %c0_i32_0 = arith.constant 0 : i32
    return %c0_i32 : i32
  }
  func.func @transform_10(%arg0: i32) -> (i32, i32) {
    %c0_i32 = arith.constant 0 : i32
    %c0_i32_0 = arith.constant 0 : i32
    %c0_i32_1 = arith.constant 0 : i32
    return %c0_i32, %c0_i32_0 : i32, i32
  }
  func.func @transform_11(%arg0: i32) -> i32 {
    %c0_i32 = arith.constant 0 : i32
    %c0_i32_0 = arith.constant 0 : i32
    return %c0_i32 : i32
  }
  func.func @transform_12(%arg0: i32) -> (i32, i32) {
    %c0_i32 = arith.constant 0 : i32
    %c0_i32_0 = arith.constant 0 : i32
    return %arg0, %c0_i32 : i32, i32
  }
}

</mosaic_0001>

<sc_bundles>
// kernel: kernel.6.cloned.1.call-start
scs
__scs_entry_jumppad:
0x0: {  	(pc) =	sbr.rel $0x88, $3  }
0x1: {  	(tag) =	ssettag $0x0;
	lr =	simm.s32 $0x1  }
0x2: {  	[smem:$0x3F97] =	sst lr;
	_ =	strace $0xD0000000  }
0x3: {  	_ = 	snop  }
0x4: {  	_ = 	snop  }
0x5: {  	_ = 	snop  }
0x6: {  	_ = 	snop  }
0x7: {  	_ = 	snop  }
__scs_overlays_trampoline_lowered:
0x8: {  	[smem:$0x3FA6] =	sst s0  }
0x9: {  	[smem:$0x3FA7] =	sst s1  }
0xa: {  	[smem:$0x3FA8] =	sst s2  }
0xb: {  	[smem:$0x3FA9] =	sst s3  }
0xc: {  	[smem:$0x3FAA] =	sst s4  }
0xd: {  	[smem:$0x3FAB] =	sst s5  }
0xe: {  	[smem:$0x3FAC] =	sst s6  }
0xf: {  	[smem:$0x3FAD] =	sst s7  }
0x10: {  	[smem:$0x3FAE] =	sst s8  }
0x11: {  	[smem:$0x3FAF] =	sst s9;
	s0 =	simm.s32 @!p0 $0x0  }
0x12: {  	s1 =	sld [smem:$0x3F95];
	s0 =	simm.s32 @p0 $0x1  }
0x13: {  	[smem:$0x3FB0] =	sst s0;
	s0 =	simm.s32 @!p1 $0x0  }
0x14: {  	s2 =	sld [smem:$0x3F94];
	s0 =	simm.s32 @p1 $0x1  }
0x15: {  	[smem:$0x3FB1] =	sst s0;
	s0 =	simm.s32 @!p2 $0x0  }
0x16: {  	s3 =	sld [smem:$0x3FDB];
	s0 =	simm.s32 @p2 $0x1  }
0x17: {  	s4 =	simm.s32 $0x1BF5;
	[smem:$0x3FB3] =	sst s0  }
0x18: {  	s0 =	sld [smem:$0x3F96];
	_ =	swait.ge [sflag:s4], $0x0  }
0x19: {  	s7 =	sld [smem:$0x3F97]  }
0x1a: {  	s8 =	sadd.s32 $0xFFFFE003, lr  }
0x1b: {  	s9 =	sadd.s32 $0xFFFFFEF7, lr;
	s5 =	simm.s32 $0xFFFFFFFF;
	p2 =	slt.u32 s8, $0xFFFFF086  }
0x1c: {  	p1 =	slt.u32 s9, $0xF7A;
	s5 =	simm.s32 @!p2 $0x0  }
0x1d: {  	s5 =	simm.s32 @p1 $0x1;
	p0 =	seq.s32 s7, s2  }
0x1e: {  	s7 =	smul.u32 @!p0 $0xF7A, s2;
	p2 =	seq.s32 @!p0 s5, $0x0  }
0x1f: {  	s9 =	smul.u32 $0xF7A, s1;
	s8 =	simm.s32 @!p0 $0x1BF5;
	p2 =	por !p2, p0  }
0x20: {  	[sflag:s8] =	ssyncset.s32 @!p0 $0xFFFFF086;
	s6 =	sadd.s32 @!p0 s3, s7;
	s7 =	simm.s32 @!p0 $0x108  }
0x21: {  	s3 =	sadd.s32 s3, s9;
	s6 =	sadd.s32 @!p0 $0x88, s6;
	s7 =	simm.s32 @p2 $0x1082  }
0x22: {  	[simem:s7], [sflag:s8] =	dma.local @!p0 [hbm:s6], $0xF7A  }
0x23: {  	s9 =	sor.u32 $0xD0000000, s2;
	s6 =	simm.s32 $0x108;
	_ =	swait.ge @!p0 [sflag:s8], $0x0  }
0x24: {  	s3 =	sadd.s32 $0x88, s3;
	s6 =	simm.s32 @!p1 $0x1082;
	[sflag:s4] =	ssyncset.s32 $0xFFFFF086  }
0x25: {  	[simem:s6], [sflag:s4] =	dma.local [hbm:s3], $0xF7A  }
0x26: {  	[smem:$0x3F97] =	sst s1;
	(tag) =	ssettag s2;
	_ =	strace s9  }
0x27: {  	s1 =	sld [smem:$0x3FA7]  }
0x28: {  	s2 =	sld [smem:$0x3FA8]  }
0x29: {  	s4 =	sld [smem:$0x3FAA]  }
0x2a: {  	p0 =	seq.s32 s5, $0x0;
	s5 =	sld [smem:$0x3FAB]  }
0x2b: {  	s6 =	sld [smem:$0x3FAC]  }
0x2c: {  	s7 =	sld [smem:$0x3FAD]  }
0x2d: {  	s3 =	simm.s32 $0x108;
	s8 =	sld [smem:$0x3FAE]  }
0x2e: {  	s3 =	simm.s32 @!p0 $0x1082;
	s9 =	sld [smem:$0x3FAF]  }
0x2f: {  	lr =	sadd.s32 s0, s3;
	s0 =	sld [smem:$0x3FA6]  }
0x30: {  	s3 =	sld [smem:$0x3FA9]  }
0x31: {  	[smem:$0x3FB2] =	sst s10  }
0x32: {  	s10 =	sld [smem:$0x3FB0];
	_ =	sdelay $0x3  }
0x33: {  	p0 =	seq.s32 s10, $0x1;
	s10 =	sld [smem:$0x3FB2];
	_ =	sdelay $0x3  }
0x34: {  	[smem:$0x3FB2] =	sst s10  }
0x35: {  	s10 =	sld [smem:$0x3FB1];
	_ =	sdelay $0x3  }
0x36: {  	p1 =	seq.s32 s10, $0x1;
	s10 =	sld [smem:$0x3FB2];
	_ =	sdelay $0x3  }
0x37: {  	[smem:$0x3FB2] =	sst s10  }
0x38: {  	s10 =	sld [smem:$0x3FB3]  }
0x39: {  	_ = 	snop;
	(pc) =	sbr.ind lr, $3  }
0x3a: {  	_ = 	snop  }
0x3b: {  	_ = 	snop  }
0x3c: {  	p2 =	seq.s32 s10, $0x1;
	s10 =	sld [smem:$0x3FB2]  }
0x3d: {  	_ =	shalt  }
0x3e: {  	_ =	shalt  }
0x3f: {  	_ =	shalt  }
0x40: {  	_ =	shalt  }
0x41: {  	_ =	shalt  }
0x42: {  	_ =	shalt  }
0x43: {  	_ =	shalt  }
0x44: {  	_ =	shalt  }
0x45: {  	_ =	shalt  }
0x46: {  	_ =	shalt  }
0x47: {  	_ =	shalt  }
0x48: {  	_ =	shalt  }
0x49: {  	_ =	shalt  }
0x4a: {  	_ =	shalt  }
0x4b: {  	_ =	shalt  }
0x4c: {  	_ =	shalt  }
0x4d: {  	_ =	shalt  }
0x4e: {  	_ =	shalt  }
0x4f: {  	_ =	shalt  }
0x50: {  	_ =	shalt  }
0x51: {  	_ =	shalt  }
0x52: {  	_ =	shalt  }
0x53: {  	_ =	shalt  }
0x54: {  	_ =	shalt  }
0x55: {  	_ =	shalt  }
0x56: {  	_ =	shalt  }
0x57: {  	_ =	shalt  }
0x58: {  	_ =	shalt  }
0x59: {  	_ =	shalt  }
0x5a: {  	_ =	shalt  }
0x5b: {  	_ =	shalt  }
0x5c: {  	_ =	shalt  }
0x5d: {  	_ =	shalt  }
0x5e: {  	_ =	shalt  }
0x5f: {  	_ =	shalt  }
0x60: {  	_ =	shalt  }
0x61: {  	_ =	shalt  }
0x62: {  	_ =	shalt  }
0x63: {  	_ =	shalt  }
0x64: {  	_ =	shalt  }
0x65: {  	_ =	shalt  }
0x66: {  	_ =	shalt  }
0x67: {  	_ =	shalt  }
0x68: {  	_ =	shalt  }
0x69: {  	_ =	shalt  }
0x6a: {  	_ =	shalt  }
0x6b: {  	_ =	shalt  }
0x6c: {  	_ =	shalt  }
0x6d: {  	_ =	shalt  }
0x6e: {  	_ =	shalt  }
0x6f: {  	_ =	shalt  }
0x70: {  	_ =	shalt  }
0x71: {  	_ =	shalt  }
0x72: {  	_ =	shalt  }
0x73: {  	_ =	shalt  }
0x74: {  	_ =	shalt  }
0x75: {  	_ =	shalt  }
0x76: {  	_ =	shalt  }
0x77: {  	_ =	shalt  }
0x78: {  	_ =	shalt  }
0x79: {  	_ =	shalt  }
0x7a: {  	_ =	shalt  }
0x7b: {  	_ =	shalt  }
0x7c: {  	_ =	shalt  }
0x7d: {  	_ =	shalt  }
0x7e: {  	_ =	shalt  }
0x7f: {  	_ =	shalt  }
0x80: {  	_ =	shalt  }
0x81: {  	_ =	shalt  }
0x82: {  	_ =	shalt  }
0x83: {  	_ =	shalt  }
0x84: {  	_ =	shalt  }
0x85: {  	_ =	shalt  }
0x86: {  	_ =	shalt  }
0x87: {  	_ =	shalt  }
.Lfunc_end0:
.L_simem_size_0:
called_computation_lowered:
.L_overlay_start_0:
0x88: {  	s2 =	sld [smem:$0x3FD9]  }
0x89: {  	s3 =	sld [smem:$0x3FFE];
	_ =	sdelay $0x1  }
0x8a: {  	s1 =	srdreg.scid  }
0x8b: {  	s0 =	sand.u32 $0x1, s1  }
0x8c: {  	s17 =	sshll.u32 s0, $0xA;
	s2 =	sadd.s32 s3, s2  }
0x8d: {  	s2 =	sadd.s32 s2, s17  }
0x8e: {  	[smem:$0x3FBE] =	sst s2  }
0x8f: {  	_ = 	snop  }
0x90: {  	s2 =	sld [smem:$0x3FD0];
	(tm) =	ssettm $0x1  }
0x91: {  	s18 =	sld [smem:$0x3FFB];
	_ =	sdelay $0x3  }
0x92: {  	_ =	strace s18  }
0x93: {  	s3 =	sld [smem:$0x3FFC];
	_ =	sdelay $0x3  }
0x94: {  	_ =	strace s3  }
0x95: {  	s3 =	sld [smem:$0x3FFD];
	_ =	sdelay $0x3  }
0x96: {  	_ =	strace s3  }
0x97: {  	_ =	strace $0x8FFFFFFF  }
0x98: {  	s19 =	sld [smem:$0x3FDB];
	_ =	sdelay $0x1  }
0x99: {  	s4 =	simm.s32 $_scs_section_size  }
0x9a: {  	s5 =	simm.s32 $_size__tile_overlayer_lowered;
	s6 =	simm.s32 $_tile_overlayer_lowered  }
0x9b: {  	s22 =	simm.s32 $0x1BFF;
	s21 =	sshll.u32 s6, $0x1;
	s3 =	sadd.s32 s4, s19  }
0x9c: {  	s7 =	simm.s32 $0x0;
	s20 =	sshll.u32 s5, $0x1;
	s5 =	sadd.s32 s21, s3  }
0x9d: {  	[timem:s7], [sflag:s22] =	dma.local [hbm:s5], s20  }
0x9e: {  	_ =	swait.ge [sflag:s22], s20  }
0x9f: {  	s4 =	ssub.s32 $0x0, s20;
	[sflag:s22] =	ssyncset.done $0x0  }
0xa0: {  	[sflag:s22] =	ssyncadd.s32 s4;
	_ =	sdelay $0x1  }
0xa1: {  	s23 =	simm.s32 $0x1B8B  }
0xa2: {  	_ =	swait.ge [sflag:s23], $0x1  }
0xa3: {  	[sflag:s23] =	ssyncset.done $0x0  }
0xa4: {  	s25 =	simm.s32 $0x1B8E;
	s24 =	sld [smem:$0x3FFE];
	[sflag:s23] =	ssyncadd.s32 $0xFFFFFFFF  }
0xa5: {  	s26 =	simm.s32 $execute0_lowered;
	[smem:$0x3FD2] =	sst s25  }
0xa6: {  	s5 =	sshll.u32 s26, $0x1;
	_ =	strace $0x80000046;
	[dreg:$0x1] =	wrdreg $0xFFFFFFFF  }
0xa7: {  	s28 =	simm.s32 $_size_execute0_lowered;
	s3 =	sadd.s32 s3, s5;
	[dreg:$0x0] =	wrdreg $0x0  }
0xa8: {  	s5 =	sshll.u32 s28, $0x1;
	[dreg:$0x2] =	wrdreg s3  }
0xa9: {  	[dreg:$0x3] =	wrdreg s5  }
0xaa: {  	[dreg:$0x4] =	wrdreg $0xC0  }
0xab: {  	_ =	task [dreg:s7], $0x5FFFF  }
0xac: {  	[dreg:$0x1] =	wrdreg $0xFFFFFFFF  }
0xad: {  	[dreg:$0x0] =	wrdreg $0x60  }
0xae: {  	[dreg:$0x2] =	wrdreg s2  }
0xaf: {  	[dreg:$0x3] =	wrdreg s24  }
0xb0: {  	[dreg:$0x4] =	wrdreg $0x9  }
0xb1: {  	_ =	task.clear_ibuf [dreg:s7], $0x5FFFF;
	_ =	strace $0x90000046  }
0xb2: {  	s29 =	simm.s32 $0x9;
	_ =	strace $0x80000048  }
0xb3: {  	_ =	swait.ge [sflag:s29], $0x1  }
0xb4: {  	[sflag:s29] =	ssyncadd.s32 $0xFFFFFFFF  }
0xb5: {  	_ =	strace $0x90000048  }
0xb6: {  	_ =	sfence  }
0xb7: {  	s30 =	sld [smem:$0x0];
	_ =	sdelay $0x2  }
0xb8: {  	s31 =	sshll.u32 s1, $0xD;
	s1 =	sshrl.u32 s1, $0x2  }
0xb9: {  	s3 =	sand.u32 $0x4000, s31;
	s1 =	sadd.s32 s1, s30  }
0xba: {  	s0 =	sor.u32 s3, s0;
	s1 =	sshll.u32 s1, $0x11  }
0xbb: {  	s0 =	sor.u32 s1, s0  }
0xbc: {  	s0 =	sadd.s32 $0x8F2B, s0  }
0xbd: {  	[sflag:s0] =	ssyncadd.remote.s32 $0x1  }
0xbe: {  	_ =	sfence.sel $0xFFFF  }
0xbf: {  	[dreg:$0x0] =	wrdreg $0xFFFFFFFF;
	(pc) =	sbr.abs _section_cstart, $3  }
0xc0: {  	[dreg:$0x1] =	wrdreg $0xFFFFFFFF  }
0xc1: {  	_ =	task.clear_ibuf [dreg:s7], $0x2FFFF;
	_ =	strace $0x9FFFFFFF  }
0xc2: {  	(tm) =	ssettm $0x7FFFFFFF  }
0xc3: {  	_ =	shalt  }
tec
execute0_lowered:
.L_overlay_start_1:
0x0: {  	(tag) =	ssettag $0x1  }
0x1: {  	v0 =	vimm.s32 $0xEDCBA987;
	v1 =	vimm.s32 $0x65432100  }
0x2: {  	v2 =	vimm.s32 $0xDCBA9876;
	v3 =	vimm.s32 $0x54321000;
	v0 =	vunpack.c.l.s4.s8 v0  }
0x3: {  	s7 =	rddreg [dreg:$0x0];
	v4 =	vimm.s32 $0xE40000;
	v5 =	vimm.s32 $0xBA987654;
	v1 =	vunpack.c.l.s4.s8 v1  }
0x4: {  	s8 =	rddreg [dreg:$0x1];
	s2 =	simm.s32 $0x0;
	v7 =	vimm.s32 $0x87654321;
	vm0 =	vcmask $0x3F30;
	v0 =	vunpack.c.0.s8.s32 v0  }
0x5: {  	s3 =	srdreg.scid;
	s0 =	stileid.u32;
	s12 =	simm.s32 $0x4F00;
	v2 =	vunpack.c.l.s4.s8 v2;
	v4 =	vunpack.c.l.s2.s4 v4;
	v1 =	vunpack.c.0.s8.s32 v1  }
0x6: {  	s13 =	simm.s32 $0x8E00;
	s14 =	simm.s32 $0xCD00;
	s15 =	simm.s32 $0x1;
	vm1 =	vcmask $0x3F08;
	v3 =	vunpack.c.l.s4.s8 v3;
	v0 =	vand.u32 $0xF, v0  }
0x7: {  	s16 =	simm.s32 $0x3;
	s17 =	simm.s32 $0x5;
	s18 =	simm.s32 $0x6E80;
	v4 =	vunpack.c.l.s4.s8 v4;
	v0 =	vcombine.low v1, v0;
	v1 =	vunpack.c.0.s8.s32 v2  }
0x8: {  	s19 =	simm.s32 $0xAD80;
	s20 =	simm.s32 $0xEC80;
	s21 =	simm.s32 $0x2780;
	vm2 =	vcmask $0x3F10;
	v7 =	vunpack.c.l.s4.s8 v7;
	v3 =	vunpack.c.0.s8.s32 v3  }
0x9: {  	s22 =	simm.s32 $0x2;
	s23 =	simm.s32 $0x4;
	s24 =	simm.s32 $0x6;
	v4 =	vunpack.c.0.s8.s32 v4;
	v2 =	vunpack.c.l.s4.s8 v5;
	v1 =	vand.u32 $0xF, v1  }
0xa: {  	s25 =	simm.s32 $0x0;
	s5 =	sand.u32 $0x1, s3;
	s29 =	sshll.u32 s0, $0x1;
	v5 =	vimm.s32 $0x32100000;
	v1 =	vcombine.low v3, v1;
	v3 =	vimm.s32 $0x7060504  }
0xb: {  	[smem:$0x7FF] =	sst s2;
	s3 =	sadd.s32 $0x144C00, s8;
	s6 =	sor.u32 s5, s29;
	v5 =	vunpack.c.l.s4.s8 v5;
	v6 =	vunpack.c.0.s8.s32 v3;
	v3 =	vimm.s32 $0xFFEDCBA9  }
0xc: {  	vm3 =	vcmask $0x3F20;
	s4 =	sadd.s32 $0x13AE00, s8;
	s10 =	ssub.s32 $0x2, s5;
	s9 =	smul.u32 $0x4E2, s6;
	v2 =	vunpack.c.0.s8.s32 v2;
	v8 =	vunpack.c.l.s4.s8 v3  }
0xd: {  	_ =	strace $0x80000047;
	s5 =	smul.u32 $0x4E200, s6;
	s30 =	sshrl.u32 s10, $0x1;
	v7 =	vunpack.c.0.s8.s32 v7;
	v4 =	vand.u32 $0x3, v4;
	v5 =	vunpack.c.0.s8.s32 v5  }
0xe: {  	s6 =	sadd.s32 $0x2600, s8;
	s10 =	ssub.s32 s10, s30;
	s11 =	sadd.s32 s9, s8;
	v2 =	vand.u32 $0xF, v2;
	v4 =	vsel vm0, v6, v4;
	v6 =	vunpack.c.0.s8.s32 v8  }
0xf: {  	vm4 =	vcmask $0x3F3C;
	s7 =	sadd.s32 s7, s9;
	s31 =	sshrl.u32 s5, $0x3;
	s10 =	smax.u32 s10, $0x1;
	v2 =	vcombine.low v5, v2;
	v3 =	vimm.f32 $-3.000000010e+38  }
0x10: {  	s8 =	sadd.s32 s6, s31;
	s9 =	sadd.s32 $0x14EA00, s11;
	s11 =	simm.s32 $0x7;
	v5 =	vimm.f32 $0.0e+00;
	vm0 =	vcmask $0x3F04;
	v6 =	vcombine.low v7, v6  }
.LBB2_1:
0x11: {  	[tilespmem:s2], [sflag:$0x7] =	stream.linear.gather [hbm4b:s7+s2], $0x2710, $0x38;
	[tilespmem:$0x10C00] =	vst v63  }
0x12: {  	_ =	swait.ge [sflag:s11], $0x2710  }
0x13: {  	[sflag:s11] =	ssyncset.done $0x0  }
0x14: {  	s26 =	simm.s32 $0x40;
	s28 =	simm.s32 $0x0;
	[sflag:s11] =	ssyncadd.s32 $0xFFFFD8F0  }
.LBB2_2:
0x15: {  	p0 =	sne.s32 s26, $0x9C00;
	[tilespmem:s28+$0x2780] =	vst v3;
	s28 =	smov.u32 s26;
	s26 =	sadd.s32 $0x40, s26  }
.Ltmp0:
0x16: {  	(pc) =	sbr.rel @p0 .LBB2_2-.Ltmp0, $2  }
0x17: {  	_ =	sdelay $0x2  }
0x18: {  	s28 =	sshra.s32 s28, $0x2  }
0x19: {  	[tilespmem:s28+$0x2780] =	vst v3;
	s26 =	simm.s32 $0x0  }
0x1a: {  	[tilespmem:s12], [sflag:$0x1] =	stream.linear.gather [hbm4b:s3+s26], $0x1F40, $0x38;
	[tilespmem:$0x10C00] =	vst v63  }
0x1b: {  	_ = 	snop  }
0x1c: {  	[tilespmem:s13], [sflag:$0x3] =	stream.linear.gather [hbm4b:s4+s26], $0x1F40, $0x38;
	[tilespmem:$0x10C00] =	vst v63  }
0x1d: {  	s28 =	simm.s32 $0x0  }
0x1e: {  	[tilespmem:s14], [sflag:$0x5] =	stream.linear.gather [hbm4b:s8+s26], $0x1F40, $0x38;
	[tilespmem:$0x10C00] =	vst v63  }
.LBB2_4:
0x1f: {  	_ =	swait.ge [sflag:s15], $0x1F40  }
0x20: {  	[sflag:s15] =	ssyncset.done $0x0  }
0x21: {  	[sflag:s15] =	ssyncadd.s32 $0xFFFFE0C0  }
0x22: {  	_ =	swait.ge [sflag:s16], $0x1F40  }
0x23: {  	s29 =	smul.u32 $0x3E80, s28;
	[sflag:s16] =	ssyncset.done $0x0  }
0x24: {  	[sflag:s16] =	ssyncadd.s32 $0xFFFFE0C0  }
0x25: {  	s30 =	sadd.s32 $0x1F40, s29;
	_ =	swait.ge [sflag:s17], $0x1F40  }
0x26: {  	s31 =	sshrl.u32 s30, $0x3;
	[sflag:s17] =	ssyncset.done $0x0  }
0x27: {  	s1 =	sadd.s32 s5, s30;
	s0 =	sadd.s32 s3, s31;
	[sflag:s17] =	ssyncadd.s32 $0xFFFFE0C0  }
0x28: {  	[tilespmem:s18], [sflag:$0x2] =	stream.linear.gather [hbm4b:s0+s26], $0x1F40, $0x38;
	[tilespmem:$0x10C00] =	vst v63  }
0x29: {  	s30 =	sadd.s32 s4, s31;
	s0 =	sshrl.u32 s1, $0x3  }
0x2a: {  	[tilespmem:s19], [sflag:$0x4] =	stream.linear.gather [hbm4b:s30+s26], $0x1F40, $0x38;
	[tilespmem:$0x10C00] =	vst v63  }
0x2b: {  	s0 =	sadd.s32 s6, s0;
	s30 =	simm.s32 $0x0  }
0x2c: {  	[tilespmem:s20], [sflag:$0x6] =	stream.linear.gather [hbm4b:s0+s26], $0x1F40, $0x38;
	[tilespmem:$0x10C00] =	vst v63  }
.LBB2_5:
0x2d: {  	s0 =	sshra.s32 s30, $0x2  }
0x2e: {  	v7 =	vld [tilespmem:s0+$0x8E00];
	_ =	sdelay $0x4  }
0x2f: {  	(xrf1) =	vunique.msk.u32 $0xffff, v7;
	_ =	sdelay $0xd  }
0x30: {  	_, v8, vm5 =	vpop (xrf1)  }
0x31: {  	v8 =	vsel vm5, $0x3F800000, v5  }
0x32: {  	(xrf0) =	vmin.scan.msk.f32 $0xffff, v8;
	_ =	sdelay $0x5  }
0x33: {  	v8, _, _ =	vpop (xrf0)  }
0x34: {  	(v2sf) =	vpush v8, $0xF;
	_ =	sdelay $0x1  }
0x35: {  	v8 =	vld [tilespmem:s0+$0x4F00];
	_ =	sdelay $0x6  }
0x36: {  	v9 =	vld [tilespmem:s0+$0xCD00]  }
0x37: {  	v8 =	vld.idx.msk [tilespmem:v8+s2+$0x0], $0xffff;
	_ =	sdelay $0x1  }
0x38: {  	v10 =	vld.idx.msk [tilespmem:v7+s21+$0x0], $0xffff;
	_ =	sdelay $0x2  }
0x39: {  	v8 =	vadd.f32 v8, v9;
	s31 =	spop (v2sf)  }
0x3a: {  	p0 =	sgt.f32 s31, $0.0e+00  }
0x3b: {  	v9 =	vmax.f32 v10, v8  }
0x3c: {  	[tilespmem:v7+s21+$0x0] =	vst.idx.msk vm5, v9;
	v7 =	vxor.u32 @!p0 $0x80000000, v7  }
0x3d: {  	(xrf1) =	vsort.ascd.msk.u32 @!p0 $0xffff, v7, v8;
	_ =	sdelay $0xd  }
0x3e: {  	v7, v8, _ =	vpop @!p0 (xrf1)  }
0x3f: {  	v7 =	vxor.u32 @!p0 $0x80000000, v7  }
0x40: {  	v9 =	vperm.xlane @!p0 v7, v0;
	_ =	sdelay $0x1  }
0x41: {  	v10 =	vperm.xlane @!p0 v8, v0;
	vm5 =	veq.s32 @!p0 v9, v7  }
0x42: {  	vm5 =	vmand @!p0 vm5, vm0  }
0x43: {  	v9 =	vnsel @!p0 vm5, $0xFF61B1E6, v10;
	v10 =	vperm.xlane @!p0 v7, v1  }
0x44: {  	v8 =	vmax.f32 @!p0 v8, v9  }
0x45: {  	v9 =	vperm.xlane @!p0 v8, v1;
	vm5 =	veq.s32 @!p0 v10, v7  }
0x46: {  	vm5 =	vmand @!p0 vm5, vm1  }
0x47: {  	v10 =	vperm.xlane @!p0 v7, v2;
	v9 =	vnsel @!p0 vm5, $0xFF61B1E6, v9  }
0x48: {  	v8 =	vmax.f32 @!p0 v8, v9  }
0x49: {  	vm5 =	veq.s32 @!p0 v10, v7;
	v10 =	vperm.xlane @!p0 v7, v6;
	v9 =	vperm.xlane @!p0 v8, v2  }
0x4a: {  	vm5 =	vmand @!p0 vm5, vm2  }
0x4b: {  	v9 =	vnsel @!p0 vm5, $0xFF61B1E6, v9;
	vm5 =	vne.s32 @!p0 v10, v7;
	v10 =	vperm.xlane @!p0 v7, v4  }
0x4c: {  	v8 =	vmax.f32 @!p0 v8, v9;
	vm5 =	vmor @!p0 vm5, vm4;
	v9 =	vld.idx.msk @!p0 [tilespmem:v7+s21+$0x0], $0xffff  }
0x4d: {  	vm6 =	veq.s32 @!p0 v10, v7;
	v10 =	vperm.xlane @!p0 v8, v4  }
0x4e: {  	vm6 =	vmand @!p0 vm6, vm3  }
0x4f: {  	v10 =	vnsel @!p0 vm6, $0xFF61B1E6, v10  }
0x50: {  	v8 =	vmax.f32 @!p0 v8, v10  }
0x51: {  	s30 =	sadd.s32 $0x40, s30;
	v8 =	vmax.f32 @!p0 v9, v8  }
0x52: {  	[tilespmem:v7+s21+$0x0] =	vst.idx.msk @!p0 vm5, v8;
	p0 =	sne.s32 s30, $0x7D00  }
.Ltmp1:
0x53: {  	_ = 	snop;
	(pc) =	sbr.rel @p0 .LBB2_5-.Ltmp1, $1  }
0x54: {  	_ =	sdelay $0x3  }
0x55: {  	_ =	swait.ge [sflag:s22], $0x1F40  }
0x56: {  	[sflag:s22] =	ssyncset.done $0x0  }
0x57: {  	[sflag:s22] =	ssyncadd.s32 $0xFFFFE0C0  }
0x58: {  	_ =	swait.ge [sflag:s23], $0x1F40  }
0x59: {  	[sflag:s23] =	ssyncset.done $0x0  }
0x5a: {  	p0 =	seq.s32 s28, $0x13;
	[sflag:s23] =	ssyncadd.s32 $0xFFFFE0C0  }
0x5b: {  	s0 =	sadd.s32 @!p0 $0x3E80, s29;
	s31 =	simm.s32 @!p0 $0x0;
	_ =	swait.ge [sflag:s24], $0x1F40  }
0x5c: {  	s1 =	simm.s32 @!p0 $0x4F00;
	s29 =	sshrl.u32 @!p0 s0, $0x3;
	[sflag:s24] =	ssyncset.done $0x0  }
0x5d: {  	s0 =	sadd.s32 @!p0 s5, s0;
	s30 =	sadd.s32 @!p0 s3, s29;
	[sflag:s24] =	ssyncadd.s32 $0xFFFFE0C0  }
0x5e: {  	[tilespmem:s1], [sflag:$0x1] =	stream.linear.gather @!p0 [hbm4b:s30+s31], $0x1F40, $0x38;
	[tilespmem:$0x10C00] =	vst v63  }
0x5f: {  	s0 =	sshrl.u32 @!p0 s0, $0x3;
	s1 =	sadd.s32 @!p0 s4, s29;
	s29 =	simm.s32 @!p0 $0x8E00  }
0x60: {  	[tilespmem:s29], [sflag:$0x3] =	stream.linear.gather @!p0 [hbm4b:s1+s31], $0x1F40, $0x38;
	[tilespmem:$0x10C00] =	vst v63  }
0x61: {  	s0 =	sadd.s32 @!p0 s6, s0;
	s1 =	simm.s32 @!p0 $0xCD00;
	s29 =	simm.s32 $0x0  }
0x62: {  	[tilespmem:s1], [sflag:$0x5] =	stream.linear.gather @!p0 [hbm4b:s0+s31], $0x1F40, $0x38;
	[tilespmem:$0x10C00] =	vst v63  }
.LBB2_7:
0x63: {  	s0 =	sshra.s32 s29, $0x2  }
0x64: {  	v7 =	vld [tilespmem:s0+$0xAD80];
	_ =	sdelay $0x4  }
0x65: {  	(xrf1) =	vunique.msk.u32 $0xffff, v7;
	_ =	sdelay $0xd  }
0x66: {  	_, v8, vm5 =	vpop (xrf1)  }
0x67: {  	v8 =	vsel vm5, $0x3F800000, v5  }
0x68: {  	(xrf0) =	vmin.scan.msk.f32 $0xffff, v8;
	_ =	sdelay $0x5  }
0x69: {  	v8, _, _ =	vpop (xrf0)  }
0x6a: {  	(v2sf) =	vpush v8, $0xF;
	_ =	sdelay $0x1  }
0x6b: {  	v8 =	vld [tilespmem:s0+$0x6E80];
	_ =	sdelay $0x6  }
0x6c: {  	v9 =	vld [tilespmem:s0+$0xEC80]  }
0x6d: {  	v8 =	vld.idx.msk [tilespmem:v8+s2+$0x0], $0xffff;
	_ =	sdelay $0x1  }
0x6e: {  	v10 =	vld.idx.msk [tilespmem:v7+s21+$0x0], $0xffff;
	_ =	sdelay $0x2  }
0x6f: {  	v8 =	vadd.f32 v8, v9;
	s31 =	spop (v2sf)  }
0x70: {  	p0 =	sgt.f32 s31, $0.0e+00  }
0x71: {  	v9 =	vmax.f32 v10, v8  }
0x72: {  	[tilespmem:v7+s21+$0x0] =	vst.idx.msk vm5, v9;
	v7 =	vxor.u32 @!p0 $0x80000000, v7  }
0x73: {  	(xrf1) =	vsort.ascd.msk.u32 @!p0 $0xffff, v7, v8;
	_ =	sdelay $0xd  }
0x74: {  	v7, v8, _ =	vpop @!p0 (xrf1)  }
0x75: {  	v7 =	vxor.u32 @!p0 $0x80000000, v7  }
0x76: {  	v9 =	vperm.xlane @!p0 v7, v0;
	_ =	sdelay $0x1  }
0x77: {  	v10 =	vperm.xlane @!p0 v8, v0;
	vm5 =	veq.s32 @!p0 v9, v7  }
0x78: {  	vm5 =	vmand @!p0 vm5, vm0  }
0x79: {  	v9 =	vnsel @!p0 vm5, $0xFF61B1E6, v10;
	v10 =	vperm.xlane @!p0 v7, v1  }
0x7a: {  	v8 =	vmax.f32 @!p0 v8, v9  }
0x7b: {  	v9 =	vperm.xlane @!p0 v8, v1;
	vm5 =	veq.s32 @!p0 v10, v7  }
0x7c: {  	vm5 =	vmand @!p0 vm5, vm1  }
0x7d: {  	v10 =	vperm.xlane @!p0 v7, v2;
	v9 =	vnsel @!p0 vm5, $0xFF61B1E6, v9  }
0x7e: {  	v8 =	vmax.f32 @!p0 v8, v9  }
0x7f: {  	vm5 =	veq.s32 @!p0 v10, v7;
	v10 =	vperm.xlane @!p0 v7, v6;
	v9 =	vperm.xlane @!p0 v8, v2  }
0x80: {  	vm5 =	vmand @!p0 vm5, vm2  }
0x81: {  	v9 =	vnsel @!p0 vm5, $0xFF61B1E6, v9;
	vm5 =	vne.s32 @!p0 v10, v7;
	v10 =	vperm.xlane @!p0 v7, v4  }
0x82: {  	v8 =	vmax.f32 @!p0 v8, v9;
	vm5 =	vmor @!p0 vm5, vm4;
	v9 =	vld.idx.msk @!p0 [tilespmem:v7+s21+$0x0], $0xffff  }
0x83: {  	vm6 =	veq.s32 @!p0 v10, v7;
	v10 =	vperm.xlane @!p0 v8, v4  }
0x84: {  	vm6 =	vmand @!p0 vm6, vm3  }
0x85: {  	v10 =	vnsel @!p0 vm6, $0xFF61B1E6, v10  }
0x86: {  	v8 =	vmax.f32 @!p0 v8, v10  }
0x87: {  	s29 =	sadd.s32 $0x40, s29;
	v8 =	vmax.f32 @!p0 v9, v8  }
0x88: {  	[tilespmem:v7+s21+$0x0] =	vst.idx.msk @!p0 vm5, v8;
	p0 =	sne.s32 s29, $0x7D00  }
.Ltmp2:
0x89: {  	_ = 	snop;
	(pc) =	sbr.rel @p0 .LBB2_7-.Ltmp2, $1  }
0x8a: {  	_ =	sdelay $0x3  }
0x8b: {  	s28 =	sadd.s32 $0x1, s28  }
0x8c: {  	p0 =	sne.s32 s28, $0x14  }
.Ltmp3:
0x8d: {  	_ = 	snop;
	(pc) =	sbr.rel @p0 .LBB2_4-.Ltmp3, $1  }
0x8e: {  	_ =	sdelay $0x3  }
0x8f: {  	s25 =	sadd.s32 $0x1, s25  }
0x90: {  	p0 =	sne.s32 s25, s10  }
.Ltmp4:
0x91: {  	_ = 	snop;
	(pc) =	sbr.rel @p0 .LBB2_1-.Ltmp4, $4  }
0x92: {  	[hbm4b:s9+s2] =	stream.linear.scatter [tilespmem:s21], [sflag:$0x7], $0x2710, $0x38;
	[tilespmem:$0x10C00] =	vst v63  }
0x93: {  	_ =	swait.ge [sflag:s11], $0x2710  }
0x94: {  	[sflag:s11] =	ssyncset.done $0x0  }
0x95: {  	[sflag:s11] =	ssyncadd.s32 $0xFFFFD8F0  }
0x96: {  	_ =	sfence.sel $0x180000  }
0x97: {  	[bflag:$0x0] =	sbarrier.arrive $0xFFFF  }
0x98: {  	_ =	strace $0x90000047  }
0x99: {  	s0 =	stileid.u32;
	[bflag:$0x2] =	sbarrier.arrive $0xFFFF  }
0x9a: {  	p0 =	sne.s32 s0, $0x0;
	s0 =	rddreg [dreg:$0x2]  }
0x9b: {  	s0 =	sadd.s32 @!p0 $0x100000, s0  }
0x9c: {  	[sflag:s0] =	ssyncadd.tile.s32 @!p0 $0x1;
	_ =	shalt  }
.Lfunc_end2:
_tile_overlayer_lowered:
.L_overlay_start_2:
0x9d: {  	(tag) =	ssettag $0x2  }
0x9e: {  	s0 =	rddreg [dreg:$0x0];
	s2 =	stileid.u32  }
0x9f: {  	s1 =	rddreg [dreg:$0x1];
	p0 =	sne.s32 s2, $0x0  }
0xa0: {  	s3 =	rddreg [dreg:$0x2];
	[bflag:$0x3] =	sbarrier.arrive $0xFFFF;
	s2 =	simm.s32 @!p0 $0x1C07  }
0xa1: {  	[timem:s3], [sflag:s2] =	dma.local @!p0 [hbm:s0], s1  }
0xa2: {  	s0 =	simm.s32 @!p0 $0x7  }
0xa3: {  	_ =	swait.ge @!p0 [sflag:s0], s1  }
0xa4: {  	s1 =	ssub.s32 @!p0 $0x0, s1;
	[sflag:s0] =	ssyncset.done @!p0 $0x0  }
0xa5: {  	[sflag:s0] =	ssyncadd.s32 @!p0 s1  }
0xa6: {  	[bflag:$0x3] =	sbarrier.arrive $0xFFFF  }
0xa7: {  	_ =	shalt  }

</sc_bundles>
